<compile_context>
chip_gen: v7x
topology: tpu7x:2x2x1
jax: 0.10.2.dev20260603
libtpu: 0.0.44.dev20260713+nightly
codegen_flags: <defaults>
</compile_context>

<pallas_src>
import functools

import jax
import jax.numpy as jnp
from jax import lax
from jax.experimental import pallas as pl
from jax.experimental.pallas import tpu as pltpu
from jax.experimental.pallas import tpu_sc as plsc

_N = 10000
_E = 320000
_H = 128
_G = 16
_PARTS = 256
_PE = 64

_NW = 32
_CH = 128
_NCH = 80
_EPW = _NCH * _CH
_EP = _NW * _EPW
_NP = 10240
_RPT = _NP // 16

_BLK = 2000
_GRID = _N // _BLK

_mesh = plsc.VectorSubcoreMesh(core_axis_name="c", subcore_axis_name="s")



@functools.partial(
    pl.kernel,
    out_type=jax.ShapeDtypeStruct((_NW, _NP), jnp.float32),
    mesh=_mesh,
    scratch_types=[
        pltpu.VMEM((_NCH, _CH), jnp.int32),
        pltpu.VMEM((_NP,), jnp.float32),
    ],
    compiler_params=pltpu.CompilerParams(needs_layout_passes=False),
)
def _deg_kernel(col_hbm, out_hbm, idx_v, deg_v):
    c = lax.axis_index("c")
    s = lax.axis_index("s")
    w = s * 2 + c
    pltpu.sync_copy(col_hbm.at[w], idx_v)

    zero16 = jnp.zeros((16,), jnp.float32)

    def zbody(i, carry):
        deg_v[pl.ds(i * 16, 16)] = zero16
        return carry

    lax.fori_loop(0, _NP // 16, zbody, jnp.int32(0))

    ones16 = jnp.ones((16,), jnp.float32)

    def body(j, carry):
        for k in range(_CH // 16):
            idx = idx_v[j, pl.ds(k * 16, 16)]
            plsc.addupdate_scatter(deg_v, [idx], ones16)
        return carry

    lax.fori_loop(0, _NCH, body, jnp.int32(0))
    pltpu.sync_copy(deg_v, out_hbm.at[w])




@functools.partial(
    pl.kernel,
    out_type=jax.ShapeDtypeStruct((2, _NP, _H), jnp.float32),
    mesh=_mesh,
    scratch_types=[
        pltpu.VMEM((_CH,), jnp.int32),
        pltpu.VMEM((_CH,), jnp.int32),
        pltpu.VMEM((_CH,), jnp.int32),
        pltpu.VMEM((_CH,), jnp.int32),
        pltpu.VMEM((_CH, _H), jnp.float32),
        pltpu.VMEM((_CH, _H), jnp.float32),
        pltpu.VMEM_SHARED((_NP, _H), jnp.float32),
        pltpu.SemaphoreType.DMA,
        pltpu.SemaphoreType.DMA,
        pltpu.SemaphoreType.DMA,
        pltpu.SemaphoreType.DMA,
    ],
)
def _msg_kernel(row_hbm, col_hbm, y_hbm, z_hbm, out_hbm,
                ir0, ir1, ic0, ic1, buf0, buf1, acc,
                semg0, semg1, semi0, semi1):
    c = lax.axis_index("c")
    s = lax.axis_index("s")
    w = s * 2 + c
    rs = s * _RPT
    pltpu.sync_copy(z_hbm.at[pl.ds(rs, _RPT)], acc.at[pl.ds(rs, _RPT)])
    plsc.subcore_barrier()

    irs = (ir0, ir1)
    ics = (ic0, ic1)
    bufs = (buf0, buf1)
    semg = (semg0, semg1)
    semi = (semi0, semi1)

    pltpu.sync_copy(row_hbm.at[w, 0], ir0)
    pltpu.sync_copy(col_hbm.at[w, 0], ic0)
    pltpu.async_copy(y_hbm.at[ir0], buf0, semg0)
    pltpu.async_copy(row_hbm.at[w, 1], ir1, semi1)
    pltpu.async_copy(col_hbm.at[w, 1], ic1, semi1)

    def body(j2, carry):
        for b in range(2):
            j = j2 * 2 + b
            p = b
            q = 1 - b
            last = _NCH // 2 - 1

            def _next_gather():
                pltpu.make_async_copy(
                    row_hbm.at[w, j + 1], irs[q], semi[q]).wait()
                pltpu.make_async_copy(
                    col_hbm.at[w, j + 1], ics[q], semi[q]).wait()
                pltpu.async_copy(y_hbm.at[irs[q]], bufs[q], semg[q])

            if b == 0:
                _next_gather()
            else:
                pl.when(j2 < last)(_next_gather)
            pltpu.make_async_copy(y_hbm.at[irs[p]], bufs[p], semg[p]).wait()
            pltpu.sync_copy(bufs[p], acc.at[ics[p]], add=True)

            @pl.when(j2 < last)
            def _next_idx():
                pltpu.async_copy(row_hbm.at[w, j + 2], irs[p], semi[p])
                pltpu.async_copy(col_hbm.at[w, j + 2], ics[p], semi[p])
        return carry

    lax.fori_loop(0, _NCH // 2, body, jnp.int32(0))
    plsc.subcore_barrier()
    pltpu.sync_copy(acc.at[pl.ds(rs, _RPT)], out_hbm.at[c, pl.ds(rs, _RPT)])




def _enc_body(pid_ref, x_ref, emb_ref, wenc_ref, benc_ref, wg0_ref, xw0_ref):
    pid = pid_ref[...]
    oh = (pid == lax.broadcasted_iota(jnp.int32, (_BLK, _PARTS), 1)
          ).astype(jnp.float32)
    t2 = jnp.dot(emb_ref[...], wenc_ref[0:_PE, :],
                 preferred_element_type=jnp.float32)
    h0 = (jnp.dot(oh, t2, preferred_element_type=jnp.float32)
          + jnp.dot(x_ref[...], wenc_ref[_PE:, :],
                    preferred_element_type=jnp.float32)
          + benc_ref[...])
    xw0_ref[...] = jnp.dot(h0, wg0_ref[...], preferred_element_type=jnp.float32)


def _enc_call(pid2, x, emb, wenc, benc2, wg0):
    return pl.pallas_call(
        _enc_body,
        grid=(_GRID,),
        in_specs=[
            pl.BlockSpec((_BLK, 1), lambda i: (i, 0)),
            pl.BlockSpec((_BLK, _H), lambda i: (i, 0)),
            pl.BlockSpec((_PARTS, _PE), lambda i: (0, 0)),
            pl.BlockSpec((_PE + _H, _H), lambda i: (0, 0)),
            pl.BlockSpec((1, _H), lambda i: (0, 0)),
            pl.BlockSpec((_H, _H), lambda i: (0, 0)),
        ],
        out_specs=pl.BlockSpec((_BLK, _H), lambda i: (i, 0)),
        out_shape=jax.ShapeDtypeStruct((_N, _H), jnp.float32),
    )(pid2, x, emb, wenc, benc2, wg0)


def _dis_body(degp_ref, xw0_ref, dis_ref, y0_ref):
    deg = jnp.sum(degp_ref[...], axis=1, keepdims=True) + 1.0
    dis = lax.rsqrt(deg)
    dis_ref[...] = dis
    y0_ref[...] = xw0_ref[...] * dis


def _dis_call(degp, xw0):
    return pl.pallas_call(
        _dis_body,
        grid=(_GRID,),
        in_specs=[
            pl.BlockSpec((_BLK, _NW), lambda i: (i, 0)),
            pl.BlockSpec((_BLK, _H), lambda i: (i, 0)),
        ],
        out_specs=[
            pl.BlockSpec((_BLK, 1), lambda i: (i, 0)),
            pl.BlockSpec((_BLK, _H), lambda i: (i, 0)),
        ],
        out_shape=[
            jax.ShapeDtypeStruct((_N, 1), jnp.float32),
            jax.ShapeDtypeStruct((_N, _H), jnp.float32),
        ],
    )(degp, xw0)


def _comb_body(p_ref, y_ref, dis_ref, b_ref, w_ref, out_ref):
    p = p_ref[...]
    agg = (jnp.sum(p, axis=0) + y_ref[...]) * dis_ref[...]
    h1 = jnp.maximum(agg + b_ref[...], 0.0)
    out_ref[...] = (jnp.dot(h1, w_ref[...], preferred_element_type=jnp.float32)
                    * dis_ref[...])


def _comb_call(p, y0, dis, bg2, wg1):
    return pl.pallas_call(
        _comb_body,
        grid=(_GRID,),
        in_specs=[
            pl.BlockSpec((2, _BLK, _H), lambda i: (0, i, 0)),
            pl.BlockSpec((_BLK, _H), lambda i: (i, 0)),
            pl.BlockSpec((_BLK, 1), lambda i: (i, 0)),
            pl.BlockSpec((1, _H), lambda i: (0, 0)),
            pl.BlockSpec((_H, _H), lambda i: (0, 0)),
        ],
        out_specs=pl.BlockSpec((_BLK, _H), lambda i: (i, 0)),
        out_shape=jax.ShapeDtypeStruct((_N, _H), jnp.float32),
    )(p, y0, dis, bg2, wg1)


def _head_body(q_ref, y1_ref, dis_ref, bg1_ref, wa1_ref, ba1_ref, wa2_ref,
               ba2_ref, bat_ref, adv_ref, sh_ref, sa_ref, cnt_ref):
    q = q_ref[...]
    agg = (jnp.sum(q, axis=0) + y1_ref[...]) * dis_ref[...]
    h2 = jnp.maximum(agg + bg1_ref[...], 0.0)
    a1 = jnp.maximum(
        jnp.dot(h2, wa1_ref[...], preferred_element_type=jnp.float32)
        + ba1_ref[...], 0.0)
    adv_ref[...] = (jnp.dot(a1, wa2_ref[...],
                            preferred_element_type=jnp.float32) + ba2_ref[...])
    oh = (bat_ref[...] == lax.broadcasted_iota(jnp.int32, (_BLK, _G), 1)
          ).astype(jnp.float32)
    dn = (((0,), (0,)), ((), ()))
    sh_blk = lax.dot_general(oh, h2, dn, preferred_element_type=jnp.float32)
    sa_blk = lax.dot_general(oh, a1, dn, preferred_element_type=jnp.float32)
    cnt_blk = lax.dot_general(oh, jnp.ones((_BLK, _H), jnp.float32), dn,
                              preferred_element_type=jnp.float32)

    @pl.when(pl.program_id(0) == 0)
    def _init():
        sh_ref[...] = jnp.zeros_like(sh_ref)
        sa_ref[...] = jnp.zeros_like(sa_ref)
        cnt_ref[...] = jnp.zeros_like(cnt_ref)

    sh_ref[...] += sh_blk
    sa_ref[...] += sa_blk
    cnt_ref[...] += cnt_blk


def _head_call(q, y1, dis, bg12, wa1, ba12, wa2, ba22, bat2):
    return pl.pallas_call(
        _head_body,
        grid=(_GRID,),
        in_specs=[
            pl.BlockSpec((2, _BLK, _H), lambda i: (0, i, 0)),
            pl.BlockSpec((_BLK, _H), lambda i: (i, 0)),
            pl.BlockSpec((_BLK, 1), lambda i: (i, 0)),
            pl.BlockSpec((1, _H), lambda i: (0, 0)),
            pl.BlockSpec((_H, _H), lambda i: (0, 0)),
            pl.BlockSpec((1, _H), lambda i: (0, 0)),
            pl.BlockSpec((_H, 1), lambda i: (0, 0)),
            pl.BlockSpec((1, 1), lambda i: (0, 0)),
            pl.BlockSpec((_BLK, 1), lambda i: (i, 0)),
        ],
        out_specs=[
            pl.BlockSpec((_BLK, 1), lambda i: (i, 0)),
            pl.BlockSpec((_G, _H), lambda i: (0, 0)),
            pl.BlockSpec((_G, _H), lambda i: (0, 0)),
            pl.BlockSpec((_G, _H), lambda i: (0, 0)),
        ],
        out_shape=[
            jax.ShapeDtypeStruct((_N, 1), jnp.float32),
            jax.ShapeDtypeStruct((_G, _H), jnp.float32),
            jax.ShapeDtypeStruct((_G, _H), jnp.float32),
            jax.ShapeDtypeStruct((_G, _H), jnp.float32),
        ],
    )(q, y1, dis, bg12, wa1, ba12, wa2, ba22, bat2)


def _fin_body(adv_ref, bat_ref, sh_ref, sa_ref, cnt_ref, wv1_ref, bv1_ref,
              wv2_ref, bv2_ref, wa2_ref, ba2_ref, out_ref):
    cnt = jnp.maximum(cnt_ref[...], 1.0)
    mh = sh_ref[...] / cnt
    ma = sa_ref[...] / cnt
    hv = jnp.maximum(
        jnp.dot(mh, wv1_ref[...], preferred_element_type=jnp.float32)
        + bv1_ref[...], 0.0)
    val = (jnp.dot(hv, wv2_ref[...], preferred_element_type=jnp.float32)
           + bv2_ref[...])
    am = (jnp.dot(ma, wa2_ref[...], preferred_element_type=jnp.float32)
          + ba2_ref[...])
    d = val - am
    oh = (bat_ref[...] == lax.broadcasted_iota(jnp.int32, (_BLK, _G), 1)
          ).astype(jnp.float32)
    out_ref[...] = adv_ref[...] + jnp.dot(oh, d,
                                          preferred_element_type=jnp.float32)


def _fin_call(adv, bat2, sh, sa, cnt, wv1, bv12, wv2, bv22, wa2, ba22):
    return pl.pallas_call(
        _fin_body,
        grid=(_GRID,),
        in_specs=[
            pl.BlockSpec((_BLK, 1), lambda i: (i, 0)),
            pl.BlockSpec((_BLK, 1), lambda i: (i, 0)),
            pl.BlockSpec((_G, _H), lambda i: (0, 0)),
            pl.BlockSpec((_G, _H), lambda i: (0, 0)),
            pl.BlockSpec((_G, _H), lambda i: (0, 0)),
            pl.BlockSpec((_H, _H), lambda i: (0, 0)),
            pl.BlockSpec((1, _H), lambda i: (0, 0)),
            pl.BlockSpec((_H, 1), lambda i: (0, 0)),
            pl.BlockSpec((1, 1), lambda i: (0, 0)),
            pl.BlockSpec((_H, 1), lambda i: (0, 0)),
            pl.BlockSpec((1, 1), lambda i: (0, 0)),
        ],
        out_specs=pl.BlockSpec((_BLK, 1), lambda i: (i, 0)),
        out_shape=jax.ShapeDtypeStruct((_N, 1), jnp.float32),
    )(adv, bat2, sh, sa, cnt, wv1, bv12, wv2, bv22, wa2, ba22)




def kernel(x, edge_index, batch, part_ids, embeddings, W_enc, b_enc,
           W_g0, b_g0, W_g1, b_g1, W_a1, b_a1, W_a2, b_a2,
           W_v1, b_v1, W_v2, b_v2):
    row = edge_index[0]
    col = edge_index[1]
    pad = _EP - _E
    row3 = jnp.concatenate(
        [row, jnp.zeros((pad,), row.dtype)]).reshape(_NW, _NCH, _CH)
    col3 = jnp.concatenate(
        [col, jnp.full((pad,), _N, col.dtype)]).reshape(_NW, _NCH, _CH)

    degp = _deg_kernel(col3).T
    xw0 = _enc_call(part_ids.reshape(_N, 1), x, embeddings, W_enc,
                    b_enc.reshape(1, _H), W_g0)
    dis, y0 = _dis_call(degp, xw0)

    z = jnp.zeros((_NP, _H), jnp.float32)
    p0 = _msg_kernel(row3, col3, y0, z)
    y1 = _comb_call(p0, y0, dis, b_g0.reshape(1, _H), W_g1)
    p1 = _msg_kernel(row3, col3, y1, z)

    bat2 = batch.reshape(_N, 1)
    adv, sh, sa, cnt = _head_call(p1, y1, dis, b_g1.reshape(1, _H), W_a1,
                                  b_a1.reshape(1, _H), W_a2,
                                  b_a2.reshape(1, 1), bat2)
    out = _fin_call(adv, bat2, sh, sa, cnt, W_v1, b_v1.reshape(1, _H), W_v2,
                    b_v2.reshape(1, 1), W_a2, b_a2.reshape(1, 1))
    return out

# --- scband reference (transcript-rebuilt; emitter-appended) ---
"""Pipeline reference for scband-qnet-5334349381864 (READ-ONLY COPY).

The authoritative reference and input builder live on the scoring server;
editing this copy changes nothing except your own understanding.
"""

import jax, jax.numpy as jnp
import numpy as np

N = 10000
E = 320000
NF = 128
H = 128
NUM_PARTS = 256
PE = 64
G = 16


def _linear_params(key, fan_in, fan_out):
    k1, k2 = jax.random.split(key)
    bound = 1.0 / np.sqrt(fan_in)
    W = jax.random.uniform(k1, (fan_in, fan_out), jnp.float32, -bound, bound)
    b = jax.random.uniform(k2, (fan_out,), jnp.float32, -bound, bound)
    return W, b


def setup_inputs(seed: int = 0) -> dict:
    key = jax.random.key(seed)
    ks = jax.random.split(key, 12)
    inp = {}
    inp["x"] = jax.random.normal(ks[0], (N, NF), jnp.float32)
    inp["edge_index"] = jax.random.randint(ks[1], (2, E), 0, N, jnp.int32)
    inp["batch"] = jnp.sort(jax.random.randint(ks[2], (N,), 0, G, jnp.int32))
    inp["part_ids"] = jax.random.randint(ks[3], (N,), 0, NUM_PARTS, jnp.int32)
    inp["embeddings"] = jax.random.uniform(ks[4], (NUM_PARTS, PE), jnp.float32)
    inp["W_enc"], inp["b_enc"] = _linear_params(ks[5], PE + NF, H)
    inp["W_g0"], inp["b_g0"] = _linear_params(ks[6], H, H)
    inp["W_g1"], inp["b_g1"] = _linear_params(ks[7], H, H)
    inp["W_a1"], inp["b_a1"] = _linear_params(ks[8], H, H)
    inp["W_a2"], inp["b_a2"] = _linear_params(ks[9], H, 1)
    inp["W_v1"], inp["b_v1"] = _linear_params(ks[10], H, H)
    inp["W_v2"], inp["b_v2"] = _linear_params(ks[11], H, 1)
    return inp


def _gcn_conv(x, row, col, norm, W, b):
    # GCNConv: x' = D^-1/2 A_hat D^-1/2 (x W) + b, aggregated at dst (col)
    xw = x @ W
    msgs = xw[row] * norm[:, None]
    out = jnp.zeros_like(xw).at[col].add(msgs)
    return out + b


def _mean_aggr(v, batch, num_graphs):
    sums = jnp.zeros((num_graphs, v.shape[1]), v.dtype).at[batch].add(v)
    cnt = jnp.zeros((num_graphs,), v.dtype).at[batch].add(1.0)
    return sums / jnp.clip(cnt, 1.0)[:, None]


def reference(x, edge_index, batch, part_ids, embeddings, W_enc, b_enc, W_g0, b_g0, W_g1, b_g1, W_a1, b_a1, W_a2, b_a2, W_v1, b_v1, W_v2, b_v2):
    n = x.shape[0]
    # torch_geometric.utils.add_self_loops (added once; gcn_norm's add_remaining_self_loops then adds nothing)
    loops = jnp.arange(n, dtype=edge_index.dtype)
    ei = jnp.concatenate([edge_index, jnp.stack([loops, loops])], axis=1)
    row, col = ei[0], ei[1]
    deg = jnp.zeros((n,), x.dtype).at[col].add(1.0)
    dis = jnp.where(deg > 0, 1.0 / jnp.sqrt(jnp.maximum(deg, 1e-12)), 0.0)
    norm = dis[row] * dis[col]
    # encode: concat part embeddings (gather) with node features
    h = jnp.concatenate([jnp.take(embeddings, part_ids, axis=0), x], axis=1) @ W_enc + b_enc
    # two GCN steps with ReLU
    h = jax.nn.relu(_gcn_conv(h, row, col, norm, W_g0, b_g0))
    h = jax.nn.relu(_gcn_conv(h, row, col, norm, W_g1, b_g1))
    # dueling head
    adv = jax.nn.relu(h @ W_a1 + b_a1) @ W_a2 + b_a2
    adv_mean = _mean_aggr(adv, batch, G)[batch]
    val_x = _mean_aggr(h, batch, G)
    val = (jax.nn.relu(val_x @ W_v1 + b_v1) @ W_v2 + b_v2)[batch]
    return val + adv - adv_mean

if __name__ == "__main__":
    import jax
    _d = setup_inputs()
    print(jax.jit(kernel)(*tuple(_d.values())))

</pallas_src>

<mosaic_0001>
#map = affine_map<(d0, d1) -> (0, 0, 0)>
#map1 = affine_map<(d0, d1) -> (0, 0)>
module attributes {stable_mosaic.version = 14 : i64} {
  func.func @_deg_kernel(%arg0: i32, %arg1: i32, %arg2: memref<32x80x128xi32, #tpu.memory_space<hbm>>, %arg3: memref<32x10240xf32, #tpu.memory_space<hbm>>, %arg4: memref<80x128xi32, #tpu.memory_space<vmem>>, %arg5: memref<10240xf32, #tpu.memory_space<vmem>>) attributes {dimension_semantics = [#tpu.dimension_semantics<core_parallel>, #tpu.dimension_semantics<subcore_parallel>], iteration_bounds = array<i64: 2, 16>, scalar_prefetch = 0 : i64, scratch_operands = 2 : i64, tpu.core_type = #tpu.core_type<sc_vector_subcore>, window_params = [{transform_indices = #map}, {transform_indices = #map1}]} {
    %mul3A = arith.constant 2 : i32
    %mul3A_0 = arith.muli %arg1, %mul3A : i32
    %add3A = arith.addi %mul3A_0, %arg0 : i32
    "tpu.region"() ({
      %run_scoped3A = tpu.sem_alloc : memref<!tpu.dma_semaphore, #tpu.memory_space<semaphore_mem>>
      %dma_start3A = arith.constant 0 : i32
      %dma_start3A_15 = arith.constant 0 : i32
      %dma_start3A_16 = tpu.memref_slice %arg2[%add3A, %dma_start3A, %dma_start3A_15] : memref<32x80x128xi32, #tpu.memory_space<hbm>> -> memref<1x80x128xi32, #tpu.memory_space<hbm>>
      %dma_start3A_17 = tpu.memref_squeeze %dma_start3A_16 : memref<1x80x128xi32, #tpu.memory_space<hbm>> -> memref<80x128xi32, #tpu.memory_space<hbm>>
      %dma_start3A_18 = arith.constant 0 : i32
      %dma_start3A_19 = arith.constant 0 : i32
      %dma_start3A_20 = tpu.memref_slice %arg2[%add3A, %dma_start3A_18, %dma_start3A_19] : memref<32x80x128xi32, #tpu.memory_space<hbm>> -> memref<1x80x128xi32, #tpu.memory_space<hbm>>
      %dma_start3A_21 = tpu.memref_squeeze %dma_start3A_20 : memref<1x80x128xi32, #tpu.memory_space<hbm>> -> memref<80x128xi32, #tpu.memory_space<hbm>>
      tpu.enqueue_dma source(%dma_start3A_21 : memref<80x128xi32, #tpu.memory_space<hbm>>) target(%arg4 : memref<80x128xi32, #tpu.memory_space<vmem>>) target_semaphore(%run_scoped3A : memref<!tpu.dma_semaphore, #tpu.memory_space<semaphore_mem>>)
      %dma_wait3A = arith.constant 0 : i32
      %dma_wait3A_22 = arith.constant 0 : i32
      %dma_wait3A_23 = tpu.memref_slice %arg2[%add3A, %dma_wait3A, %dma_wait3A_22] : memref<32x80x128xi32, #tpu.memory_space<hbm>> -> memref<1x80x128xi32, #tpu.memory_space<hbm>>
      %dma_wait3A_24 = tpu.memref_squeeze %dma_wait3A_23 : memref<1x80x128xi32, #tpu.memory_space<hbm>> -> memref<80x128xi32, #tpu.memory_space<hbm>>
      %dma_wait3A_25 = arith.constant 0 : i32
      %dma_wait3A_26 = arith.constant 0 : i32
      %dma_wait3A_27 = tpu.memref_slice %arg2[%add3A, %dma_wait3A_25, %dma_wait3A_26] : memref<32x80x128xi32, #tpu.memory_space<hbm>> -> memref<1x80x128xi32, #tpu.memory_space<hbm>>
      %dma_wait3A_28 = tpu.memref_squeeze %dma_wait3A_27 : memref<1x80x128xi32, #tpu.memory_space<hbm>> -> memref<80x128xi32, #tpu.memory_space<hbm>>
      tpu.wait_dma2 semaphore(%run_scoped3A : memref<!tpu.dma_semaphore, #tpu.memory_space<semaphore_mem>>) src(%dma_wait3A_28 : memref<80x128xi32, #tpu.memory_space<hbm>>) dst(%arg4 : memref<80x128xi32, #tpu.memory_space<vmem>>)
      tpu.yield
    }) : () -> ()
    %broadcast_in_dim3A = arith.constant 0.000000e+00 : f32
    %broadcast_in_dim3A_1 = vector.broadcast %broadcast_in_dim3A : f32 to vector<16xf32>
    %scan3A = arith.constant 0 : i32
    %scan3A_2 = arith.constant 0 : i32
    %scan3A_3 = arith.constant 640 : i32
    %scan3A_4 = arith.addi %scan3A_2, %scan3A_3 : i32
    %scan3A_5 = arith.constant 1 : i32
    scf.for %scan3A_15 = %scan3A_2 to %scan3A_4 step %scan3A_5  : i32 {
      %mul3A_16 = arith.constant 16 : i32
      %mul3A_17 = arith.muli %scan3A_15, %mul3A_16 : i32
      %swap3A = arith.index_cast %mul3A_17 : i32 to index
      %swap3A_18 = tpu.vector_load %arg5[%swap3A] {strides = array<i32>} : memref<10240xf32, #tpu.memory_space<vmem>>, vector<16xf32>,
      tpu.vector_store %arg5[%swap3A], %broadcast_in_dim3A_1 {strides = array<i32>} : memref<10240xf32, #tpu.memory_space<vmem>>, vector<16xf32>,
    }
    %scan3A_6 = arith.constant 640 : i32
    %broadcast_in_dim3A_7 = arith.constant 1.000000e+00 : f32
    %broadcast_in_dim3A_8 = vector.broadcast %broadcast_in_dim3A_7 : f32 to vector<16xf32>
    %scan3A_9 = arith.constant 0 : i32
    %scan3A_10 = arith.constant 0 : i32
    %scan3A_11 = arith.constant 80 : i32
    %scan3A_12 = arith.addi %scan3A_10, %scan3A_11 : i32
    %scan3A_13 = arith.constant 1 : i32
    scf.for %scan3A_15 = %scan3A_10 to %scan3A_12 step %scan3A_13  : i32 {
      %get3A = arith.index_cast %scan3A_15 : i32 to index
      %get3A_16 = arith.constant 0 : index
      %get3A_17 = tpu.vector_load %arg4[%get3A, %get3A_16] {strides = array<i32>} : memref<80x128xi32, #tpu.memory_space<vmem>>, vector<16xi32>,
      tpu.vector_store_idx %arg5[%get3A_17], %broadcast_in_dim3A_8 {add = true} : memref<10240xf32, #tpu.memory_space<vmem>>[vector<16xi32>], vector<16xf32>,
      %get3A_18 = arith.index_cast %scan3A_15 : i32 to index
      %get3A_19 = arith.constant 16 : index
      %get3A_20 = tpu.vector_load %arg4[%get3A_18, %get3A_19] {strides = array<i32>} : memref<80x128xi32, #tpu.memory_space<vmem>>, vector<16xi32>,
      tpu.vector_store_idx %arg5[%get3A_20], %broadcast_in_dim3A_8 {add = true} : memref<10240xf32, #tpu.memory_space<vmem>>[vector<16xi32>], vector<16xf32>,
      %get3A_21 = arith.index_cast %scan3A_15 : i32 to index
      %get3A_22 = arith.constant 32 : index
      %get3A_23 = tpu.vector_load %arg4[%get3A_21, %get3A_22] {strides = array<i32>} : memref<80x128xi32, #tpu.memory_space<vmem>>, vector<16xi32>,
      tpu.vector_store_idx %arg5[%get3A_23], %broadcast_in_dim3A_8 {add = true} : memref<10240xf32, #tpu.memory_space<vmem>>[vector<16xi32>], vector<16xf32>,
      %get3A_24 = arith.index_cast %scan3A_15 : i32 to index
      %get3A_25 = arith.constant 48 : index
      %get3A_26 = tpu.vector_load %arg4[%get3A_24, %get3A_25] {strides = array<i32>} : memref<80x128xi32, #tpu.memory_space<vmem>>, vector<16xi32>,
      tpu.vector_store_idx %arg5[%get3A_26], %broadcast_in_dim3A_8 {add = true} : memref<10240xf32, #tpu.memory_space<vmem>>[vector<16xi32>], vector<16xf32>,
      %get3A_27 = arith.index_cast %scan3A_15 : i32 to index
      %get3A_28 = arith.constant 64 : index
      %get3A_29 = tpu.vector_load %arg4[%get3A_27, %get3A_28] {strides = array<i32>} : memref<80x128xi32, #tpu.memory_space<vmem>>, vector<16xi32>,
      tpu.vector_store_idx %arg5[%get3A_29], %broadcast_in_dim3A_8 {add = true} : memref<10240xf32, #tpu.memory_space<vmem>>[vector<16xi32>], vector<16xf32>,
      %get3A_30 = arith.index_cast %scan3A_15 : i32 to index
      %get3A_31 = arith.constant 80 : index
      %get3A_32 = tpu.vector_load %arg4[%get3A_30, %get3A_31] {strides = array<i32>} : memref<80x128xi32, #tpu.memory_space<vmem>>, vector<16xi32>,
      tpu.vector_store_idx %arg5[%get3A_32], %broadcast_in_dim3A_8 {add = true} : memref<10240xf32, #tpu.memory_space<vmem>>[vector<16xi32>], vector<16xf32>,
      %get3A_33 = arith.index_cast %scan3A_15 : i32 to index
      %get3A_34 = arith.constant 96 : index
      %get3A_35 = tpu.vector_load %arg4[%get3A_33, %get3A_34] {strides = array<i32>} : memref<80x128xi32, #tpu.memory_space<vmem>>, vector<16xi32>,
      tpu.vector_store_idx %arg5[%get3A_35], %broadcast_in_dim3A_8 {add = true} : memref<10240xf32, #tpu.memory_space<vmem>>[vector<16xi32>], vector<16xf32>,
      %get3A_36 = arith.index_cast %scan3A_15 : i32 to index
      %get3A_37 = arith.constant 112 : index
      %get3A_38 = tpu.vector_load %arg4[%get3A_36, %get3A_37] {strides = array<i32>} : memref<80x128xi32, #tpu.memory_space<vmem>>, vector<16xi32>,
      tpu.vector_store_idx %arg5[%get3A_38], %broadcast_in_dim3A_8 {add = true} : memref<10240xf32, #tpu.memory_space<vmem>>[vector<16xi32>], vector<16xf32>,
    }
    %scan3A_14 = arith.constant 80 : i32
    "tpu.region"() ({
      %run_scoped3A = tpu.sem_alloc : memref<!tpu.dma_semaphore, #tpu.memory_space<semaphore_mem>>
      %dma_start3A = arith.constant 0 : i32
      %dma_start3A_15 = tpu.memref_slice %arg3[%add3A, %dma_start3A] : memref<32x10240xf32, #tpu.memory_space<hbm>> -> memref<1x10240xf32, #tpu.memory_space<hbm>>
      %dma_start3A_16 = tpu.memref_squeeze %dma_start3A_15 : memref<1x10240xf32, #tpu.memory_space<hbm>> -> memref<10240xf32, #tpu.memory_space<hbm>>
      %dma_start3A_17 = arith.constant 0 : i32
      %dma_start3A_18 = tpu.memref_slice %arg3[%add3A, %dma_start3A_17] : memref<32x10240xf32, #tpu.memory_space<hbm>> -> memref<1x10240xf32, #tpu.memory_space<hbm>>
      %dma_start3A_19 = tpu.memref_squeeze %dma_start3A_18 : memref<1x10240xf32, #tpu.memory_space<hbm>> -> memref<10240xf32, #tpu.memory_space<hbm>>
      tpu.enqueue_dma source(%arg5 : memref<10240xf32, #tpu.memory_space<vmem>>) target(%dma_start3A_19 : memref<10240xf32, #tpu.memory_space<hbm>>) target_semaphore(%run_scoped3A : memref<!tpu.dma_semaphore, #tpu.memory_space<semaphore_mem>>)
      %dma_wait3A = arith.constant 0 : i32
      %dma_wait3A_20 = tpu.memref_slice %arg3[%add3A, %dma_wait3A] : memref<32x10240xf32, #tpu.memory_space<hbm>> -> memref<1x10240xf32, #tpu.memory_space<hbm>>
      %dma_wait3A_21 = tpu.memref_squeeze %dma_wait3A_20 : memref<1x10240xf32, #tpu.memory_space<hbm>> -> memref<10240xf32, #tpu.memory_space<hbm>>
      %dma_wait3A_22 = arith.constant 0 : i32
      %dma_wait3A_23 = tpu.memref_slice %arg3[%add3A, %dma_wait3A_22] : memref<32x10240xf32, #tpu.memory_space<hbm>> -> memref<1x10240xf32, #tpu.memory_space<hbm>>
      %dma_wait3A_24 = tpu.memref_squeeze %dma_wait3A_23 : memref<1x10240xf32, #tpu.memory_space<hbm>> -> memref<10240xf32, #tpu.memory_space<hbm>>
      tpu.wait_dma2 semaphore(%run_scoped3A : memref<!tpu.dma_semaphore, #tpu.memory_space<semaphore_mem>>) src(%arg5 : memref<10240xf32, #tpu.memory_space<vmem>>) dst(%dma_wait3A_24 : memref<10240xf32, #tpu.memory_space<hbm>>)
      tpu.yield
    }) : () -> ()
    return
  }
}

#map = affine_map<(d0, d1) -> (0, 0, 0)>
#map1 = affine_map<(d0, d1) -> (0, 0)>
module attributes {stable_mosaic.version = 14 : i64} {
  func.func @_msg_kernel(%arg0: i32, %arg1: i32, %arg2: memref<32x80x128xi32, #tpu.memory_space<hbm>>, %arg3: memref<32x80x128xi32, #tpu.memory_space<hbm>>, %arg4: memref<10000x128xf32, #tpu.memory_space<hbm>>, %arg5: memref<10240x128xf32, #tpu.memory_space<hbm>>, %arg6: memref<2x10240x128xf32, #tpu.memory_space<hbm>>, %arg7: memref<128xi32, #tpu.memory_space<vmem>>, %arg8: memref<128xi32, #tpu.memory_space<vmem>>, %arg9: memref<128xi32, #tpu.memory_space<vmem>>, %arg10: memref<128xi32, #tpu.memory_space<vmem>>, %arg11: memref<128x128xf32, #tpu.memory_space<vmem>>, %arg12: memref<128x128xf32, #tpu.memory_space<vmem>>, %arg13: memref<10240x128xf32, #tpu.memory_space<vmem_shared>>, %arg14: memref<!tpu.dma_semaphore, #tpu.memory_space<semaphore_mem>>, %arg15: memref<!tpu.dma_semaphore, #tpu.memory_space<semaphore_mem>>, %arg16: memref<!tpu.dma_semaphore, #tpu.memory_space<semaphore_mem>>, %arg17: memref<!tpu.dma_semaphore, #tpu.memory_space<semaphore_mem>>) attributes {dimension_semantics = [#tpu.dimension_semantics<core_parallel>, #tpu.dimension_semantics<subcore_parallel>], iteration_bounds = array<i64: 2, 16>, scalar_prefetch = 0 : i64, scratch_operands = 11 : i64, tpu.core_type = #tpu.core_type<sc_vector_subcore>, window_params = [{transform_indices = #map}, {transform_indices = #map}, {transform_indices = #map1}, {transform_indices = #map1}, {transform_indices = #map}]} {
    %mul3A = arith.constant 2 : i32
    %mul3A_0 = arith.muli %arg1, %mul3A : i32
    %add3A = arith.addi %mul3A_0, %arg0 : i32
    %mul3A_1 = arith.constant 640 : i32
    %mul3A_2 = arith.muli %arg1, %mul3A_1 : i32
    "tpu.region"() ({
      %run_scoped3A_26 = tpu.sem_alloc : memref<!tpu.dma_semaphore, #tpu.memory_space<semaphore_mem>>
      %dma_start3A_27 = arith.constant 0 : i32
      %dma_start3A_28 = tpu.memref_slice %arg13[%mul3A_2, %dma_start3A_27] : memref<10240x128xf32, #tpu.memory_space<vmem_shared>> -> memref<640x128xf32, #tpu.memory_space<vmem_shared>>
      %dma_start3A_29 = arith.constant 0 : i32
      %dma_start3A_30 = tpu.memref_slice %arg5[%mul3A_2, %dma_start3A_29] : memref<10240x128xf32, #tpu.memory_space<hbm>> -> memref<640x128xf32, #tpu.memory_space<hbm>>
      tpu.enqueue_dma source(%dma_start3A_30 : memref<640x128xf32, #tpu.memory_space<hbm>>) target(%dma_start3A_28 : memref<640x128xf32, #tpu.memory_space<vmem_shared>>) target_semaphore(%run_scoped3A_26 : memref<!tpu.dma_semaphore, #tpu.memory_space<semaphore_mem>>)
      %dma_wait3A = arith.constant 0 : i32
      %dma_wait3A_31 = tpu.memref_slice %arg13[%mul3A_2, %dma_wait3A] : memref<10240x128xf32, #tpu.memory_space<vmem_shared>> -> memref<640x128xf32, #tpu.memory_space<vmem_shared>>
      %dma_wait3A_32 = arith.constant 0 : i32
      %dma_wait3A_33 = tpu.memref_slice %arg5[%mul3A_2, %dma_wait3A_32] : memref<10240x128xf32, #tpu.memory_space<hbm>> -> memref<640x128xf32, #tpu.memory_space<hbm>>
      tpu.wait_dma2 semaphore(%run_scoped3A_26 : memref<!tpu.dma_semaphore, #tpu.memory_space<semaphore_mem>>) src(%dma_wait3A_33 : memref<640x128xf32, #tpu.memory_space<hbm>>) dst(%dma_wait3A_31 : memref<640x128xf32, #tpu.memory_space<vmem_shared>>)
      tpu.yield
    }) : () -> ()
    %barrier3A = arith.constant 0 : index
    tpu.barrier barrier_id(%barrier3A)
    %run_scoped3A = arith.constant 0 : i32
    "tpu.region"() ({
      %run_scoped3A_26 = tpu.sem_alloc : memref<!tpu.dma_semaphore, #tpu.memory_space<semaphore_mem>>
      %dma_start3A_27 = arith.constant 0 : i32
      %dma_start3A_28 = tpu.memref_slice %arg2[%add3A, %run_scoped3A, %dma_start3A_27] : memref<32x80x128xi32, #tpu.memory_space<hbm>> -> memref<1x1x128xi32, #tpu.memory_space<hbm>>
      %dma_start3A_29 = tpu.memref_squeeze %dma_start3A_28 : memref<1x1x128xi32, #tpu.memory_space<hbm>> -> memref<128xi32, #tpu.memory_space<hbm>>
      %dma_start3A_30 = arith.constant 0 : i32
      %dma_start3A_31 = tpu.memref_slice %arg2[%add3A, %run_scoped3A, %dma_start3A_30] : memref<32x80x128xi32, #tpu.memory_space<hbm>> -> memref<1x1x128xi32, #tpu.memory_space<hbm>>
      %dma_start3A_32 = tpu.memref_squeeze %dma_start3A_31 : memref<1x1x128xi32, #tpu.memory_space<hbm>> -> memref<128xi32, #tpu.memory_space<hbm>>
      tpu.enqueue_dma source(%dma_start3A_32 : memref<128xi32, #tpu.memory_space<hbm>>) target(%arg7 : memref<128xi32, #tpu.memory_space<vmem>>) target_semaphore(%run_scoped3A_26 : memref<!tpu.dma_semaphore, #tpu.memory_space<semaphore_mem>>)
      %dma_wait3A = arith.constant 0 : i32
      %dma_wait3A_33 = tpu.memref_slice %arg2[%add3A, %run_scoped3A, %dma_wait3A] : memref<32x80x128xi32, #tpu.memory_space<hbm>> -> memref<1x1x128xi32, #tpu.memory_space<hbm>>
      %dma_wait3A_34 = tpu.memref_squeeze %dma_wait3A_33 : memref<1x1x128xi32, #tpu.memory_space<hbm>> -> memref<128xi32, #tpu.memory_space<hbm>>
      %dma_wait3A_35 = arith.constant 0 : i32
      %dma_wait3A_36 = tpu.memref_slice %arg2[%add3A, %run_scoped3A, %dma_wait3A_35] : memref<32x80x128xi32, #tpu.memory_space<hbm>> -> memref<1x1x128xi32, #tpu.memory_space<hbm>>
      %dma_wait3A_37 = tpu.memref_squeeze %dma_wait3A_36 : memref<1x1x128xi32, #tpu.memory_space<hbm>> -> memref<128xi32, #tpu.memory_space<hbm>>
      tpu.wait_dma2 semaphore(%run_scoped3A_26 : memref<!tpu.dma_semaphore, #tpu.memory_space<semaphore_mem>>) src(%dma_wait3A_37 : memref<128xi32, #tpu.memory_space<hbm>>) dst(%arg7 : memref<128xi32, #tpu.memory_space<vmem>>)
      tpu.yield
    }) : () -> ()
    %run_scoped3A_3 = arith.constant 0 : i32
    "tpu.region"() ({
      %run_scoped3A_26 = tpu.sem_alloc : memref<!tpu.dma_semaphore, #tpu.memory_space<semaphore_mem>>
      %dma_start3A_27 = arith.constant 0 : i32
      %dma_start3A_28 = tpu.memref_slice %arg3[%add3A, %run_scoped3A_3, %dma_start3A_27] : memref<32x80x128xi32, #tpu.memory_space<hbm>> -> memref<1x1x128xi32, #tpu.memory_space<hbm>>
      %dma_start3A_29 = tpu.memref_squeeze %dma_start3A_28 : memref<1x1x128xi32, #tpu.memory_space<hbm>> -> memref<128xi32, #tpu.memory_space<hbm>>
      %dma_start3A_30 = arith.constant 0 : i32
      %dma_start3A_31 = tpu.memref_slice %arg3[%add3A, %run_scoped3A_3, %dma_start3A_30] : memref<32x80x128xi32, #tpu.memory_space<hbm>> -> memref<1x1x128xi32, #tpu.memory_space<hbm>>
      %dma_start3A_32 = tpu.memref_squeeze %dma_start3A_31 : memref<1x1x128xi32, #tpu.memory_space<hbm>> -> memref<128xi32, #tpu.memory_space<hbm>>
      tpu.enqueue_dma source(%dma_start3A_32 : memref<128xi32, #tpu.memory_space<hbm>>) target(%arg9 : memref<128xi32, #tpu.memory_space<vmem>>) target_semaphore(%run_scoped3A_26 : memref<!tpu.dma_semaphore, #tpu.memory_space<semaphore_mem>>)
      %dma_wait3A = arith.constant 0 : i32
      %dma_wait3A_33 = tpu.memref_slice %arg3[%add3A, %run_scoped3A_3, %dma_wait3A] : memref<32x80x128xi32, #tpu.memory_space<hbm>> -> memref<1x1x128xi32, #tpu.memory_space<hbm>>
      %dma_wait3A_34 = tpu.memref_squeeze %dma_wait3A_33 : memref<1x1x128xi32, #tpu.memory_space<hbm>> -> memref<128xi32, #tpu.memory_space<hbm>>
      %dma_wait3A_35 = arith.constant 0 : i32
      %dma_wait3A_36 = tpu.memref_slice %arg3[%add3A, %run_scoped3A_3, %dma_wait3A_35] : memref<32x80x128xi32, #tpu.memory_space<hbm>> -> memref<1x1x128xi32, #tpu.memory_space<hbm>>
      %dma_wait3A_37 = tpu.memref_squeeze %dma_wait3A_36 : memref<1x1x128xi32, #tpu.memory_space<hbm>> -> memref<128xi32, #tpu.memory_space<hbm>>
      tpu.wait_dma2 semaphore(%run_scoped3A_26 : memref<!tpu.dma_semaphore, #tpu.memory_space<semaphore_mem>>) src(%dma_wait3A_37 : memref<128xi32, #tpu.memory_space<hbm>>) dst(%arg9 : memref<128xi32, #tpu.memory_space<vmem>>)
      tpu.yield
    }) : () -> ()
    %dma_start3A = arith.constant 0 : i32
    %dma_start3A_4 = arith.constant 0 : i32
    %dma_start3A_5 = tpu.memref_slice %arg4[%dma_start3A, %dma_start3A_4] : memref<10000x128xf32, #tpu.memory_space<hbm>> -> memref<10000x128xf32, #tpu.memory_space<hbm>>
    tpu.enqueue_indirect_dma source(%dma_start3A_5 : memref<10000x128xf32, #tpu.memory_space<hbm>>) target(%arg11 : memref<128x128xf32, #tpu.memory_space<vmem>>) offsets(%arg7 : memref<128xi32, #tpu.memory_space<vmem>>) semaphore(%arg14 : memref<!tpu.dma_semaphore, #tpu.memory_space<semaphore_mem>>)
    %dma_start3A_6 = arith.constant 1 : i32
    %dma_start3A_7 = arith.constant 0 : i32
    %dma_start3A_8 = tpu.memref_slice %arg2[%add3A, %dma_start3A_6, %dma_start3A_7] : memref<32x80x128xi32, #tpu.memory_space<hbm>> -> memref<1x1x128xi32, #tpu.memory_space<hbm>>
    %dma_start3A_9 = tpu.memref_squeeze %dma_start3A_8 : memref<1x1x128xi32, #tpu.memory_space<hbm>> -> memref<128xi32, #tpu.memory_space<hbm>>
    %dma_start3A_10 = arith.constant 0 : i32
    %dma_start3A_11 = tpu.memref_slice %arg2[%add3A, %dma_start3A_6, %dma_start3A_10] : memref<32x80x128xi32, #tpu.memory_space<hbm>> -> memref<1x1x128xi32, #tpu.memory_space<hbm>>
    %dma_start3A_12 = tpu.memref_squeeze %dma_start3A_11 : memref<1x1x128xi32, #tpu.memory_space<hbm>> -> memref<128xi32, #tpu.memory_space<hbm>>
    tpu.enqueue_dma source(%dma_start3A_12 : memref<128xi32, #tpu.memory_space<hbm>>) target(%arg8 : memref<128xi32, #tpu.memory_space<vmem>>) target_semaphore(%arg17 : memref<!tpu.dma_semaphore, #tpu.memory_space<semaphore_mem>>)
    %dma_start3A_13 = arith.constant 1 : i32
    %dma_start3A_14 = arith.constant 0 : i32
    %dma_start3A_15 = tpu.memref_slice %arg3[%add3A, %dma_start3A_13, %dma_start3A_14] : memref<32x80x128xi32, #tpu.memory_space<hbm>> -> memref<1x1x128xi32, #tpu.memory_space<hbm>>
    %dma_start3A_16 = tpu.memref_squeeze %dma_start3A_15 : memref<1x1x128xi32, #tpu.memory_space<hbm>> -> memref<128xi32, #tpu.memory_space<hbm>>
    %dma_start3A_17 = arith.constant 0 : i32
    %dma_start3A_18 = tpu.memref_slice %arg3[%add3A, %dma_start3A_13, %dma_start3A_17] : memref<32x80x128xi32, #tpu.memory_space<hbm>> -> memref<1x1x128xi32, #tpu.memory_space<hbm>>
    %dma_start3A_19 = tpu.memref_squeeze %dma_start3A_18 : memref<1x1x128xi32, #tpu.memory_space<hbm>> -> memref<128xi32, #tpu.memory_space<hbm>>
    tpu.enqueue_dma source(%dma_start3A_19 : memref<128xi32, #tpu.memory_space<hbm>>) target(%arg10 : memref<128xi32, #tpu.memory_space<vmem>>) target_semaphore(%arg17 : memref<!tpu.dma_semaphore, #tpu.memory_space<semaphore_mem>>)
    %scan3A = arith.constant 0 : i32
    %scan3A_20 = arith.constant 0 : i32
    %scan3A_21 = arith.constant 40 : i32
    %scan3A_22 = arith.addi %scan3A_20, %scan3A_21 : i32
    %scan3A_23 = arith.constant 1 : i32
    scf.for %scan3A_26 = %scan3A_20 to %scan3A_22 step %scan3A_23  : i32 {
      %mul3A_27 = arith.constant 2 : i32
      %mul3A_28 = arith.muli %scan3A_26, %mul3A_27 : i32
      %add3A_29 = arith.constant 0 : i32
      %add3A_30 = arith.addi %mul3A_28, %add3A_29 : i32
      %add3A_31 = arith.constant 1 : i32
      %add3A_32 = arith.addi %add3A_30, %add3A_31 : i32
      %dma_wait3A = arith.constant 0 : i32
      %dma_wait3A_33 = tpu.memref_slice %arg2[%add3A, %add3A_32, %dma_wait3A] : memref<32x80x128xi32, #tpu.memory_space<hbm>> -> memref<1x1x128xi32, #tpu.memory_space<hbm>>
      %dma_wait3A_34 = tpu.memref_squeeze %dma_wait3A_33 : memref<1x1x128xi32, #tpu.memory_space<hbm>> -> memref<128xi32, #tpu.memory_space<hbm>>
      %dma_wait3A_35 = arith.constant 0 : i32
      %dma_wait3A_36 = tpu.memref_slice %arg2[%add3A, %add3A_32, %dma_wait3A_35] : memref<32x80x128xi32, #tpu.memory_space<hbm>> -> memref<1x1x128xi32, #tpu.memory_space<hbm>>
      %dma_wait3A_37 = tpu.memref_squeeze %dma_wait3A_36 : memref<1x1x128xi32, #tpu.memory_space<hbm>> -> memref<128xi32, #tpu.memory_space<hbm>>
      tpu.wait_dma2 semaphore(%arg17 : memref<!tpu.dma_semaphore, #tpu.memory_space<semaphore_mem>>) src(%dma_wait3A_37 : memref<128xi32, #tpu.memory_space<hbm>>) dst(%arg8 : memref<128xi32, #tpu.memory_space<vmem>>)
      %add3A_38 = arith.constant 1 : i32
      %add3A_39 = arith.addi %add3A_30, %add3A_38 : i32
      %dma_wait3A_40 = arith.constant 0 : i32
      %dma_wait3A_41 = tpu.memref_slice %arg3[%add3A, %add3A_39, %dma_wait3A_40] : memref<32x80x128xi32, #tpu.memory_space<hbm>> -> memref<1x1x128xi32, #tpu.memory_space<hbm>>
      %dma_wait3A_42 = tpu.memref_squeeze %dma_wait3A_41 : memref<1x1x128xi32, #tpu.memory_space<hbm>> -> memref<128xi32, #tpu.memory_space<hbm>>
      %dma_wait3A_43 = arith.constant 0 : i32
      %dma_wait3A_44 = tpu.memref_slice %arg3[%add3A, %add3A_39, %dma_wait3A_43] : memref<32x80x128xi32, #tpu.memory_space<hbm>> -> memref<1x1x128xi32, #tpu.memory_space<hbm>>
      %dma_wait3A_45 = tpu.memref_squeeze %dma_wait3A_44 : memref<1x1x128xi32, #tpu.memory_space<hbm>> -> memref<128xi32, #tpu.memory_space<hbm>>
      tpu.wait_dma2 semaphore(%arg17 : memref<!tpu.dma_semaphore, #tpu.memory_space<semaphore_mem>>) src(%dma_wait3A_45 : memref<128xi32, #tpu.memory_space<hbm>>) dst(%arg10 : memref<128xi32, #tpu.memory_space<vmem>>)
      %dma_start3A_46 = arith.constant 0 : i32
      %dma_start3A_47 = arith.constant 0 : i32
      %dma_start3A_48 = tpu.memref_slice %arg4[%dma_start3A_46, %dma_start3A_47] : memref<10000x128xf32, #tpu.memory_space<hbm>> -> memref<10000x128xf32, #tpu.memory_space<hbm>>
      tpu.enqueue_indirect_dma source(%dma_start3A_48 : memref<10000x128xf32, #tpu.memory_space<hbm>>) target(%arg12 : memref<128x128xf32, #tpu.memory_space<vmem>>) offsets(%arg8 : memref<128xi32, #tpu.memory_space<vmem>>) semaphore(%arg15 : memref<!tpu.dma_semaphore, #tpu.memory_space<semaphore_mem>>)
      %dma_wait3A_49 = arith.constant 0 : i32
      %dma_wait3A_50 = arith.constant 0 : i32
      %dma_wait3A_51 = tpu.memref_slice %arg4[%dma_wait3A_49, %dma_wait3A_50] : memref<10000x128xf32, #tpu.memory_space<hbm>> -> memref<10000x128xf32, #tpu.memory_space<hbm>>
      tpu.wait_indirect_dma semaphore(%arg14 : memref<!tpu.dma_semaphore, #tpu.memory_space<semaphore_mem>>) src(%dma_wait3A_51 : memref<10000x128xf32, #tpu.memory_space<hbm>>) dst(%arg11 : memref<128x128xf32, #tpu.memory_space<vmem>>)
      "tpu.region"() ({
        %run_scoped3A_71 = tpu.sem_alloc : memref<!tpu.dma_semaphore, #tpu.memory_space<semaphore_mem>>
        %dma_start3A_72 = arith.constant 0 : i32
        %dma_start3A_73 = arith.constant 0 : i32
        %dma_start3A_74 = tpu.memref_slice %arg13[%dma_start3A_72, %dma_start3A_73] : memref<10240x128xf32, #tpu.memory_space<vmem_shared>> -> memref<10240x128xf32, #tpu.memory_space<vmem_shared>>
        tpu.enqueue_indirect_dma source(%arg11 : memref<128x128xf32, #tpu.memory_space<vmem>>) target(%dma_start3A_74 : memref<10240x128xf32, #tpu.memory_space<vmem_shared>>) offsets(%arg9 : memref<128xi32, #tpu.memory_space<vmem>>) semaphore(%run_scoped3A_71 : memref<!tpu.dma_semaphore, #tpu.memory_space<semaphore_mem>>) {add = true}
        %dma_wait3A_75 = arith.constant 0 : i32
        %dma_wait3A_76 = arith.constant 0 : i32
        %dma_wait3A_77 = tpu.memref_slice %arg13[%dma_wait3A_75, %dma_wait3A_76] : memref<10240x128xf32, #tpu.memory_space<vmem_shared>> -> memref<10240x128xf32, #tpu.memory_space<vmem_shared>>
        tpu.wait_indirect_dma semaphore(%run_scoped3A_71 : memref<!tpu.dma_semaphore, #tpu.memory_space<semaphore_mem>>) src(%arg11 : memref<128x128xf32, #tpu.memory_space<vmem>>) dst(%dma_wait3A_77 : memref<10240x128xf32, #tpu.memory_space<vmem_shared>>)
        tpu.yield
      }) : () -> ()
      %lt3A = arith.constant 39 : i32
      %lt3A_52 = arith.cmpi slt, %scan3A_26, %lt3A : i32
      %convert_element_type3A = arith.extui %lt3A_52 : i1 to i32
      %cond3A = arith.constant 0 : i32
      %cond3A_53 = arith.cmpi ne, %convert_element_type3A, %cond3A : i32
      scf.if %cond3A_53 {
        %add3A_71 = arith.constant 2 : i32
        %add3A_72 = arith.addi %add3A_30, %add3A_71 : i32
        %dma_start3A_73 = arith.constant 0 : i32
        %dma_start3A_74 = tpu.memref_slice %arg2[%add3A, %add3A_72, %dma_start3A_73] : memref<32x80x128xi32, #tpu.memory_space<hbm>> -> memref<1x1x128xi32, #tpu.memory_space<hbm>>
        %dma_start3A_75 = tpu.memref_squeeze %dma_start3A_74 : memref<1x1x128xi32, #tpu.memory_space<hbm>> -> memref<128xi32, #tpu.memory_space<hbm>>
        %dma_start3A_76 = arith.constant 0 : i32
        %dma_start3A_77 = tpu.memref_slice %arg2[%add3A, %add3A_72, %dma_start3A_76] : memref<32x80x128xi32, #tpu.memory_space<hbm>> -> memref<1x1x128xi32, #tpu.memory_space<hbm>>
        %dma_start3A_78 = tpu.memref_squeeze %dma_start3A_77 : memref<1x1x128xi32, #tpu.memory_space<hbm>> -> memref<128xi32, #tpu.memory_space<hbm>>
        tpu.enqueue_dma source(%dma_start3A_78 : memref<128xi32, #tpu.memory_space<hbm>>) target(%arg7 : memref<128xi32, #tpu.memory_space<vmem>>) target_semaphore(%arg16 : memref<!tpu.dma_semaphore, #tpu.memory_space<semaphore_mem>>)
        %add3A_79 = arith.constant 2 : i32
        %add3A_80 = arith.addi %add3A_30, %add3A_79 : i32
        %dma_start3A_81 = arith.constant 0 : i32
        %dma_start3A_82 = tpu.memref_slice %arg3[%add3A, %add3A_80, %dma_start3A_81] : memref<32x80x128xi32, #tpu.memory_space<hbm>> -> memref<1x1x128xi32, #tpu.memory_space<hbm>>
        %dma_start3A_83 = tpu.memref_squeeze %dma_start3A_82 : memref<1x1x128xi32, #tpu.memory_space<hbm>> -> memref<128xi32, #tpu.memory_space<hbm>>
        %dma_start3A_84 = arith.constant 0 : i32
        %dma_start3A_85 = tpu.memref_slice %arg3[%add3A, %add3A_80, %dma_start3A_84] : memref<32x80x128xi32, #tpu.memory_space<hbm>> -> memref<1x1x128xi32, #tpu.memory_space<hbm>>
        %dma_start3A_86 = tpu.memref_squeeze %dma_start3A_85 : memref<1x1x128xi32, #tpu.memory_space<hbm>> -> memref<128xi32, #tpu.memory_space<hbm>>
        tpu.enqueue_dma source(%dma_start3A_86 : memref<128xi32, #tpu.memory_space<hbm>>) target(%arg9 : memref<128xi32, #tpu.memory_space<vmem>>) target_semaphore(%arg16 : memref<!tpu.dma_semaphore, #tpu.memory_space<semaphore_mem>>)
      } else {
      }
      %mul3A_54 = arith.constant 2 : i32
      %mul3A_55 = arith.muli %scan3A_26, %mul3A_54 : i32
      %add3A_56 = arith.constant 1 : i32
      %add3A_57 = arith.addi %mul3A_55, %add3A_56 : i32
      %lt3A_58 = arith.constant 39 : i32
      %lt3A_59 = arith.cmpi slt, %scan3A_26, %lt3A_58 : i32
      %convert_element_type3A_60 = arith.extui %lt3A_59 : i1 to i32
      %cond3A_61 = arith.constant 0 : i32
      %cond3A_62 = arith.cmpi ne, %convert_element_type3A_60, %cond3A_61 : i32
      scf.if %cond3A_62 {
        %add3A_71 = arith.constant 1 : i32
        %add3A_72 = arith.addi %add3A_57, %add3A_71 : i32
        %dma_wait3A_73 = arith.constant 0 : i32
        %dma_wait3A_74 = tpu.memref_slice %arg2[%add3A, %add3A_72, %dma_wait3A_73] : memref<32x80x128xi32, #tpu.memory_space<hbm>> -> memref<1x1x128xi32, #tpu.memory_space<hbm>>
        %dma_wait3A_75 = tpu.memref_squeeze %dma_wait3A_74 : memref<1x1x128xi32, #tpu.memory_space<hbm>> -> memref<128xi32, #tpu.memory_space<hbm>>
        %dma_wait3A_76 = arith.constant 0 : i32
        %dma_wait3A_77 = tpu.memref_slice %arg2[%add3A, %add3A_72, %dma_wait3A_76] : memref<32x80x128xi32, #tpu.memory_space<hbm>> -> memref<1x1x128xi32, #tpu.memory_space<hbm>>
        %dma_wait3A_78 = tpu.memref_squeeze %dma_wait3A_77 : memref<1x1x128xi32, #tpu.memory_space<hbm>> -> memref<128xi32, #tpu.memory_space<hbm>>
        tpu.wait_dma2 semaphore(%arg16 : memref<!tpu.dma_semaphore, #tpu.memory_space<semaphore_mem>>) src(%dma_wait3A_78 : memref<128xi32, #tpu.memory_space<hbm>>) dst(%arg7 : memref<128xi32, #tpu.memory_space<vmem>>)
        %add3A_79 = arith.constant 1 : i32
        %add3A_80 = arith.addi %add3A_57, %add3A_79 : i32
        %dma_wait3A_81 = arith.constant 0 : i32
        %dma_wait3A_82 = tpu.memref_slice %arg3[%add3A, %add3A_80, %dma_wait3A_81] : memref<32x80x128xi32, #tpu.memory_space<hbm>> -> memref<1x1x128xi32, #tpu.memory_space<hbm>>
        %dma_wait3A_83 = tpu.memref_squeeze %dma_wait3A_82 : memref<1x1x128xi32, #tpu.memory_space<hbm>> -> memref<128xi32, #tpu.memory_space<hbm>>
        %dma_wait3A_84 = arith.constant 0 : i32
        %dma_wait3A_85 = tpu.memref_slice %arg3[%add3A, %add3A_80, %dma_wait3A_84] : memref<32x80x128xi32, #tpu.memory_space<hbm>> -> memref<1x1x128xi32, #tpu.memory_space<hbm>>
        %dma_wait3A_86 = tpu.memref_squeeze %dma_wait3A_85 : memref<1x1x128xi32, #tpu.memory_space<hbm>> -> memref<128xi32, #tpu.memory_space<hbm>>
        tpu.wait_dma2 semaphore(%arg16 : memref<!tpu.dma_semaphore, #tpu.memory_space<semaphore_mem>>) src(%dma_wait3A_86 : memref<128xi32, #tpu.memory_space<hbm>>) dst(%arg9 : memref<128xi32, #tpu.memory_space<vmem>>)
        %dma_start3A_87 = arith.constant 0 : i32
        %dma_start3A_88 = arith.constant 0 : i32
        %dma_start3A_89 = tpu.memref_slice %arg4[%dma_start3A_87, %dma_start3A_88] : memref<10000x128xf32, #tpu.memory_space<hbm>> -> memref<10000x128xf32, #tpu.memory_space<hbm>>
        tpu.enqueue_indirect_dma source(%dma_start3A_89 : memref<10000x128xf32, #tpu.memory_space<hbm>>) target(%arg11 : memref<128x128xf32, #tpu.memory_space<vmem>>) offsets(%arg7 : memref<128xi32, #tpu.memory_space<vmem>>) semaphore(%arg14 : memref<!tpu.dma_semaphore, #tpu.memory_space<semaphore_mem>>)
      } else {
      }
      %dma_wait3A_63 = arith.constant 0 : i32
      %dma_wait3A_64 = arith.constant 0 : i32
      %dma_wait3A_65 = tpu.memref_slice %arg4[%dma_wait3A_63, %dma_wait3A_64] : memref<10000x128xf32, #tpu.memory_space<hbm>> -> memref<10000x128xf32, #tpu.memory_space<hbm>>
      tpu.wait_indirect_dma semaphore(%arg15 : memref<!tpu.dma_semaphore, #tpu.memory_space<semaphore_mem>>) src(%dma_wait3A_65 : memref<10000x128xf32, #tpu.memory_space<hbm>>) dst(%arg12 : memref<128x128xf32, #tpu.memory_space<vmem>>)
      "tpu.region"() ({
        %run_scoped3A_71 = tpu.sem_alloc : memref<!tpu.dma_semaphore, #tpu.memory_space<semaphore_mem>>
        %dma_start3A_72 = arith.constant 0 : i32
        %dma_start3A_73 = arith.constant 0 : i32
        %dma_start3A_74 = tpu.memref_slice %arg13[%dma_start3A_72, %dma_start3A_73] : memref<10240x128xf32, #tpu.memory_space<vmem_shared>> -> memref<10240x128xf32, #tpu.memory_space<vmem_shared>>
        tpu.enqueue_indirect_dma source(%arg12 : memref<128x128xf32, #tpu.memory_space<vmem>>) target(%dma_start3A_74 : memref<10240x128xf32, #tpu.memory_space<vmem_shared>>) offsets(%arg10 : memref<128xi32, #tpu.memory_space<vmem>>) semaphore(%run_scoped3A_71 : memref<!tpu.dma_semaphore, #tpu.memory_space<semaphore_mem>>) {add = true}
        %dma_wait3A_75 = arith.constant 0 : i32
        %dma_wait3A_76 = arith.constant 0 : i32
        %dma_wait3A_77 = tpu.memref_slice %arg13[%dma_wait3A_75, %dma_wait3A_76] : memref<10240x128xf32, #tpu.memory_space<vmem_shared>> -> memref<10240x128xf32, #tpu.memory_space<vmem_shared>>
        tpu.wait_indirect_dma semaphore(%run_scoped3A_71 : memref<!tpu.dma_semaphore, #tpu.memory_space<semaphore_mem>>) src(%arg12 : memref<128x128xf32, #tpu.memory_space<vmem>>) dst(%dma_wait3A_77 : memref<10240x128xf32, #tpu.memory_space<vmem_shared>>)
        tpu.yield
      }) : () -> ()
      %lt3A_66 = arith.constant 39 : i32
      %lt3A_67 = arith.cmpi slt, %scan3A_26, %lt3A_66 : i32
      %convert_element_type3A_68 = arith.extui %lt3A_67 : i1 to i32
      %cond3A_69 = arith.constant 0 : i32
      %cond3A_70 = arith.cmpi ne, %convert_element_type3A_68, %cond3A_69 : i32
      scf.if %cond3A_70 {
        %add3A_71 = arith.constant 2 : i32
        %add3A_72 = arith.addi %add3A_57, %add3A_71 : i32
        %dma_start3A_73 = arith.constant 0 : i32
        %dma_start3A_74 = tpu.memref_slice %arg2[%add3A, %add3A_72, %dma_start3A_73] : memref<32x80x128xi32, #tpu.memory_space<hbm>> -> memref<1x1x128xi32, #tpu.memory_space<hbm>>
        %dma_start3A_75 = tpu.memref_squeeze %dma_start3A_74 : memref<1x1x128xi32, #tpu.memory_space<hbm>> -> memref<128xi32, #tpu.memory_space<hbm>>
        %dma_start3A_76 = arith.constant 0 : i32
        %dma_start3A_77 = tpu.memref_slice %arg2[%add3A, %add3A_72, %dma_start3A_76] : memref<32x80x128xi32, #tpu.memory_space<hbm>> -> memref<1x1x128xi32, #tpu.memory_space<hbm>>
        %dma_start3A_78 = tpu.memref_squeeze %dma_start3A_77 : memref<1x1x128xi32, #tpu.memory_space<hbm>> -> memref<128xi32, #tpu.memory_space<hbm>>
        tpu.enqueue_dma source(%dma_start3A_78 : memref<128xi32, #tpu.memory_space<hbm>>) target(%arg8 : memref<128xi32, #tpu.memory_space<vmem>>) target_semaphore(%arg17 : memref<!tpu.dma_semaphore, #tpu.memory_space<semaphore_mem>>)
        %add3A_79 = arith.constant 2 : i32
        %add3A_80 = arith.addi %add3A_57, %add3A_79 : i32
        %dma_start3A_81 = arith.constant 0 : i32
        %dma_start3A_82 = tpu.memref_slice %arg3[%add3A, %add3A_80, %dma_start3A_81] : memref<32x80x128xi32, #tpu.memory_space<hbm>> -> memref<1x1x128xi32, #tpu.memory_space<hbm>>
        %dma_start3A_83 = tpu.memref_squeeze %dma_start3A_82 : memref<1x1x128xi32, #tpu.memory_space<hbm>> -> memref<128xi32, #tpu.memory_space<hbm>>
        %dma_start3A_84 = arith.constant 0 : i32
        %dma_start3A_85 = tpu.memref_slice %arg3[%add3A, %add3A_80, %dma_start3A_84] : memref<32x80x128xi32, #tpu.memory_space<hbm>> -> memref<1x1x128xi32, #tpu.memory_space<hbm>>
        %dma_start3A_86 = tpu.memref_squeeze %dma_start3A_85 : memref<1x1x128xi32, #tpu.memory_space<hbm>> -> memref<128xi32, #tpu.memory_space<hbm>>
        tpu.enqueue_dma source(%dma_start3A_86 : memref<128xi32, #tpu.memory_space<hbm>>) target(%arg10 : memref<128xi32, #tpu.memory_space<vmem>>) target_semaphore(%arg17 : memref<!tpu.dma_semaphore, #tpu.memory_space<semaphore_mem>>)
      } else {
      }
    }
    %scan3A_24 = arith.constant 40 : i32
    %barrier3A_25 = arith.constant 0 : index
    tpu.barrier barrier_id(%barrier3A_25)
    "tpu.region"() ({
      %run_scoped3A_26 = tpu.sem_alloc : memref<!tpu.dma_semaphore, #tpu.memory_space<semaphore_mem>>
      %dma_start3A_27 = arith.constant 0 : i32
      %dma_start3A_28 = tpu.memref_slice %arg6[%arg0, %mul3A_2, %dma_start3A_27] : memref<2x10240x128xf32, #tpu.memory_space<hbm>> -> memref<1x640x128xf32, #tpu.memory_space<hbm>>
      %dma_start3A_29 = tpu.memref_squeeze %dma_start3A_28 : memref<1x640x128xf32, #tpu.memory_space<hbm>> -> memref<640x128xf32, #tpu.memory_space<hbm>>
      %dma_start3A_30 = arith.constant 0 : i32
      %dma_start3A_31 = tpu.memref_slice %arg13[%mul3A_2, %dma_start3A_30] : memref<10240x128xf32, #tpu.memory_space<vmem_shared>> -> memref<640x128xf32, #tpu.memory_space<vmem_shared>>
      tpu.enqueue_dma source(%dma_start3A_31 : memref<640x128xf32, #tpu.memory_space<vmem_shared>>) target(%dma_start3A_29 : memref<640x128xf32, #tpu.memory_space<hbm>>) target_semaphore(%run_scoped3A_26 : memref<!tpu.dma_semaphore, #tpu.memory_space<semaphore_mem>>)
      %dma_wait3A = arith.constant 0 : i32
      %dma_wait3A_32 = tpu.memref_slice %arg6[%arg0, %mul3A_2, %dma_wait3A] : memref<2x10240x128xf32, #tpu.memory_space<hbm>> -> memref<1x640x128xf32, #tpu.memory_space<hbm>>
      %dma_wait3A_33 = tpu.memref_squeeze %dma_wait3A_32 : memref<1x640x128xf32, #tpu.memory_space<hbm>> -> memref<640x128xf32, #tpu.memory_space<hbm>>
      %dma_wait3A_34 = arith.constant 0 : i32
      %dma_wait3A_35 = tpu.memref_slice %arg13[%mul3A_2, %dma_wait3A_34] : memref<10240x128xf32, #tpu.memory_space<vmem_shared>> -> memref<640x128xf32, #tpu.memory_space<vmem_shared>>
      tpu.wait_dma2 semaphore(%run_scoped3A_26 : memref<!tpu.dma_semaphore, #tpu.memory_space<semaphore_mem>>) src(%dma_wait3A_35 : memref<640x128xf32, #tpu.memory_space<vmem_shared>>) dst(%dma_wait3A_33 : memref<640x128xf32, #tpu.memory_space<hbm>>)
      tpu.yield
    }) : () -> ()
    return
  }
}

#map = affine_map<(d0, d1) -> (0, 0, 0)>
#map1 = affine_map<(d0, d1) -> (0, 0)>
module attributes {stable_mosaic.version = 14 : i64} {
  func.func @_msg_kernel(%arg0: i32, %arg1: i32, %arg2: memref<32x80x128xi32, #tpu.memory_space<hbm>>, %arg3: memref<32x80x128xi32, #tpu.memory_space<hbm>>, %arg4: memref<10000x128xf32, #tpu.memory_space<hbm>>, %arg5: memref<10240x128xf32, #tpu.memory_space<hbm>>, %arg6: memref<2x10240x128xf32, #tpu.memory_space<hbm>>, %arg7: memref<128xi32, #tpu.memory_space<vmem>>, %arg8: memref<128xi32, #tpu.memory_space<vmem>>, %arg9: memref<128xi32, #tpu.memory_space<vmem>>, %arg10: memref<128xi32, #tpu.memory_space<vmem>>, %arg11: memref<128x128xf32, #tpu.memory_space<vmem>>, %arg12: memref<128x128xf32, #tpu.memory_space<vmem>>, %arg13: memref<10240x128xf32, #tpu.memory_space<vmem_shared>>, %arg14: memref<!tpu.dma_semaphore, #tpu.memory_space<semaphore_mem>>, %arg15: memref<!tpu.dma_semaphore, #tpu.memory_space<semaphore_mem>>, %arg16: memref<!tpu.dma_semaphore, #tpu.memory_space<semaphore_mem>>, %arg17: memref<!tpu.dma_semaphore, #tpu.memory_space<semaphore_mem>>) attributes {dimension_semantics = [#tpu.dimension_semantics<core_parallel>, #tpu.dimension_semantics<subcore_parallel>], iteration_bounds = array<i64: 2, 16>, scalar_prefetch = 0 : i64, scratch_operands = 11 : i64, tpu.core_type = #tpu.core_type<sc_vector_subcore>, window_params = [{transform_indices = #map}, {transform_indices = #map}, {transform_indices = #map1}, {transform_indices = #map1}, {transform_indices = #map}]} {
    %mul3A = arith.constant 2 : i32
    %mul3A_0 = arith.muli %arg1, %mul3A : i32
    %add3A = arith.addi %mul3A_0, %arg0 : i32
    %mul3A_1 = arith.constant 640 : i32
    %mul3A_2 = arith.muli %arg1, %mul3A_1 : i32
    "tpu.region"() ({
      %run_scoped3A_26 = tpu.sem_alloc : memref<!tpu.dma_semaphore, #tpu.memory_space<semaphore_mem>>
      %dma_start3A_27 = arith.constant 0 : i32
      %dma_start3A_28 = tpu.memref_slice %arg13[%mul3A_2, %dma_start3A_27] : memref<10240x128xf32, #tpu.memory_space<vmem_shared>> -> memref<640x128xf32, #tpu.memory_space<vmem_shared>>
      %dma_start3A_29 = arith.constant 0 : i32
      %dma_start3A_30 = tpu.memref_slice %arg5[%mul3A_2, %dma_start3A_29] : memref<10240x128xf32, #tpu.memory_space<hbm>> -> memref<640x128xf32, #tpu.memory_space<hbm>>
      tpu.enqueue_dma source(%dma_start3A_30 : memref<640x128xf32, #tpu.memory_space<hbm>>) target(%dma_start3A_28 : memref<640x128xf32, #tpu.memory_space<vmem_shared>>) target_semaphore(%run_scoped3A_26 : memref<!tpu.dma_semaphore, #tpu.memory_space<semaphore_mem>>)
      %dma_wait3A = arith.constant 0 : i32
      %dma_wait3A_31 = tpu.memref_slice %arg13[%mul3A_2, %dma_wait3A] : memref<10240x128xf32, #tpu.memory_space<vmem_shared>> -> memref<640x128xf32, #tpu.memory_space<vmem_shared>>
      %dma_wait3A_32 = arith.constant 0 : i32
      %dma_wait3A_33 = tpu.memref_slice %arg5[%mul3A_2, %dma_wait3A_32] : memref<10240x128xf32, #tpu.memory_space<hbm>> -> memref<640x128xf32, #tpu.memory_space<hbm>>
      tpu.wait_dma2 semaphore(%run_scoped3A_26 : memref<!tpu.dma_semaphore, #tpu.memory_space<semaphore_mem>>) src(%dma_wait3A_33 : memref<640x128xf32, #tpu.memory_space<hbm>>) dst(%dma_wait3A_31 : memref<640x128xf32, #tpu.memory_space<vmem_shared>>)
      tpu.yield
    }) : () -> ()
    %barrier3A = arith.constant 0 : index
    tpu.barrier barrier_id(%barrier3A)
    %run_scoped3A = arith.constant 0 : i32
    "tpu.region"() ({
      %run_scoped3A_26 = tpu.sem_alloc : memref<!tpu.dma_semaphore, #tpu.memory_space<semaphore_mem>>
      %dma_start3A_27 = arith.constant 0 : i32
      %dma_start3A_28 = tpu.memref_slice %arg2[%add3A, %run_scoped3A, %dma_start3A_27] : memref<32x80x128xi32, #tpu.memory_space<hbm>> -> memref<1x1x128xi32, #tpu.memory_space<hbm>>
      %dma_start3A_29 = tpu.memref_squeeze %dma_start3A_28 : memref<1x1x128xi32, #tpu.memory_space<hbm>> -> memref<128xi32, #tpu.memory_space<hbm>>
      %dma_start3A_30 = arith.constant 0 : i32
      %dma_start3A_31 = tpu.memref_slice %arg2[%add3A, %run_scoped3A, %dma_start3A_30] : memref<32x80x128xi32, #tpu.memory_space<hbm>> -> memref<1x1x128xi32, #tpu.memory_space<hbm>>
      %dma_start3A_32 = tpu.memref_squeeze %dma_start3A_31 : memref<1x1x128xi32, #tpu.memory_space<hbm>> -> memref<128xi32, #tpu.memory_space<hbm>>
      tpu.enqueue_dma source(%dma_start3A_32 : memref<128xi32, #tpu.memory_space<hbm>>) target(%arg7 : memref<128xi32, #tpu.memory_space<vmem>>) target_semaphore(%run_scoped3A_26 : memref<!tpu.dma_semaphore, #tpu.memory_space<semaphore_mem>>)
      %dma_wait3A = arith.constant 0 : i32
      %dma_wait3A_33 = tpu.memref_slice %arg2[%add3A, %run_scoped3A, %dma_wait3A] : memref<32x80x128xi32, #tpu.memory_space<hbm>> -> memref<1x1x128xi32, #tpu.memory_space<hbm>>
      %dma_wait3A_34 = tpu.memref_squeeze %dma_wait3A_33 : memref<1x1x128xi32, #tpu.memory_space<hbm>> -> memref<128xi32, #tpu.memory_space<hbm>>
      %dma_wait3A_35 = arith.constant 0 : i32
      %dma_wait3A_36 = tpu.memref_slice %arg2[%add3A, %run_scoped3A, %dma_wait3A_35] : memref<32x80x128xi32, #tpu.memory_space<hbm>> -> memref<1x1x128xi32, #tpu.memory_space<hbm>>
      %dma_wait3A_37 = tpu.memref_squeeze %dma_wait3A_36 : memref<1x1x128xi32, #tpu.memory_space<hbm>> -> memref<128xi32, #tpu.memory_space<hbm>>
      tpu.wait_dma2 semaphore(%run_scoped3A_26 : memref<!tpu.dma_semaphore, #tpu.memory_space<semaphore_mem>>) src(%dma_wait3A_37 : memref<128xi32, #tpu.memory_space<hbm>>) dst(%arg7 : memref<128xi32, #tpu.memory_space<vmem>>)
      tpu.yield
    }) : () -> ()
    %run_scoped3A_3 = arith.constant 0 : i32
    "tpu.region"() ({
      %run_scoped3A_26 = tpu.sem_alloc : memref<!tpu.dma_semaphore, #tpu.memory_space<semaphore_mem>>
      %dma_start3A_27 = arith.constant 0 : i32
      %dma_start3A_28 = tpu.memref_slice %arg3[%add3A, %run_scoped3A_3, %dma_start3A_27] : memref<32x80x128xi32, #tpu.memory_space<hbm>> -> memref<1x1x128xi32, #tpu.memory_space<hbm>>
      %dma_start3A_29 = tpu.memref_squeeze %dma_start3A_28 : memref<1x1x128xi32, #tpu.memory_space<hbm>> -> memref<128xi32, #tpu.memory_space<hbm>>
      %dma_start3A_30 = arith.constant 0 : i32
      %dma_start3A_31 = tpu.memref_slice %arg3[%add3A, %run_scoped3A_3, %dma_start3A_30] : memref<32x80x128xi32, #tpu.memory_space<hbm>> -> memref<1x1x128xi32, #tpu.memory_space<hbm>>
      %dma_start3A_32 = tpu.memref_squeeze %dma_start3A_31 : memref<1x1x128xi32, #tpu.memory_space<hbm>> -> memref<128xi32, #tpu.memory_space<hbm>>
      tpu.enqueue_dma source(%dma_start3A_32 : memref<128xi32, #tpu.memory_space<hbm>>) target(%arg9 : memref<128xi32, #tpu.memory_space<vmem>>) target_semaphore(%run_scoped3A_26 : memref<!tpu.dma_semaphore, #tpu.memory_space<semaphore_mem>>)
      %dma_wait3A = arith.constant 0 : i32
      %dma_wait3A_33 = tpu.memref_slice %arg3[%add3A, %run_scoped3A_3, %dma_wait3A] : memref<32x80x128xi32, #tpu.memory_space<hbm>> -> memref<1x1x128xi32, #tpu.memory_space<hbm>>
      %dma_wait3A_34 = tpu.memref_squeeze %dma_wait3A_33 : memref<1x1x128xi32, #tpu.memory_space<hbm>> -> memref<128xi32, #tpu.memory_space<hbm>>
      %dma_wait3A_35 = arith.constant 0 : i32
      %dma_wait3A_36 = tpu.memref_slice %arg3[%add3A, %run_scoped3A_3, %dma_wait3A_35] : memref<32x80x128xi32, #tpu.memory_space<hbm>> -> memref<1x1x128xi32, #tpu.memory_space<hbm>>
      %dma_wait3A_37 = tpu.memref_squeeze %dma_wait3A_36 : memref<1x1x128xi32, #tpu.memory_space<hbm>> -> memref<128xi32, #tpu.memory_space<hbm>>
      tpu.wait_dma2 semaphore(%run_scoped3A_26 : memref<!tpu.dma_semaphore, #tpu.memory_space<semaphore_mem>>) src(%dma_wait3A_37 : memref<128xi32, #tpu.memory_space<hbm>>) dst(%arg9 : memref<128xi32, #tpu.memory_space<vmem>>)
      tpu.yield
    }) : () -> ()
    %dma_start3A = arith.constant 0 : i32
    %dma_start3A_4 = arith.constant 0 : i32
    %dma_start3A_5 = tpu.memref_slice %arg4[%dma_start3A, %dma_start3A_4] : memref<10000x128xf32, #tpu.memory_space<hbm>> -> memref<10000x128xf32, #tpu.memory_space<hbm>>
    tpu.enqueue_indirect_dma source(%dma_start3A_5 : memref<10000x128xf32, #tpu.memory_space<hbm>>) target(%arg11 : memref<128x128xf32, #tpu.memory_space<vmem>>) offsets(%arg7 : memref<128xi32, #tpu.memory_space<vmem>>) semaphore(%arg14 : memref<!tpu.dma_semaphore, #tpu.memory_space<semaphore_mem>>)
    %dma_start3A_6 = arith.constant 1 : i32
    %dma_start3A_7 = arith.constant 0 : i32
    %dma_start3A_8 = tpu.memref_slice %arg2[%add3A, %dma_start3A_6, %dma_start3A_7] : memref<32x80x128xi32, #tpu.memory_space<hbm>> -> memref<1x1x128xi32, #tpu.memory_space<hbm>>
    %dma_start3A_9 = tpu.memref_squeeze %dma_start3A_8 : memref<1x1x128xi32, #tpu.memory_space<hbm>> -> memref<128xi32, #tpu.memory_space<hbm>>
    %dma_start3A_10 = arith.constant 0 : i32
    %dma_start3A_11 = tpu.memref_slice %arg2[%add3A, %dma_start3A_6, %dma_start3A_10] : memref<32x80x128xi32, #tpu.memory_space<hbm>> -> memref<1x1x128xi32, #tpu.memory_space<hbm>>
    %dma_start3A_12 = tpu.memref_squeeze %dma_start3A_11 : memref<1x1x128xi32, #tpu.memory_space<hbm>> -> memref<128xi32, #tpu.memory_space<hbm>>
    tpu.enqueue_dma source(%dma_start3A_12 : memref<128xi32, #tpu.memory_space<hbm>>) target(%arg8 : memref<128xi32, #tpu.memory_space<vmem>>) target_semaphore(%arg17 : memref<!tpu.dma_semaphore, #tpu.memory_space<semaphore_mem>>)
    %dma_start3A_13 = arith.constant 1 : i32
    %dma_start3A_14 = arith.constant 0 : i32
    %dma_start3A_15 = tpu.memref_slice %arg3[%add3A, %dma_start3A_13, %dma_start3A_14] : memref<32x80x128xi32, #tpu.memory_space<hbm>> -> memref<1x1x128xi32, #tpu.memory_space<hbm>>
    %dma_start3A_16 = tpu.memref_squeeze %dma_start3A_15 : memref<1x1x128xi32, #tpu.memory_space<hbm>> -> memref<128xi32, #tpu.memory_space<hbm>>
    %dma_start3A_17 = arith.constant 0 : i32
    %dma_start3A_18 = tpu.memref_slice %arg3[%add3A, %dma_start3A_13, %dma_start3A_17] : memref<32x80x128xi32, #tpu.memory_space<hbm>> -> memref<1x1x128xi32, #tpu.memory_space<hbm>>
    %dma_start3A_19 = tpu.memref_squeeze %dma_start3A_18 : memref<1x1x128xi32, #tpu.memory_space<hbm>> -> memref<128xi32, #tpu.memory_space<hbm>>
    tpu.enqueue_dma source(%dma_start3A_19 : memref<128xi32, #tpu.memory_space<hbm>>) target(%arg10 : memref<128xi32, #tpu.memory_space<vmem>>) target_semaphore(%arg17 : memref<!tpu.dma_semaphore, #tpu.memory_space<semaphore_mem>>)
    %scan3A = arith.constant 0 : i32
    %scan3A_20 = arith.constant 0 : i32
    %scan3A_21 = arith.constant 40 : i32
    %scan3A_22 = arith.addi %scan3A_20, %scan3A_21 : i32
    %scan3A_23 = arith.constant 1 : i32
    scf.for %scan3A_26 = %scan3A_20 to %scan3A_22 step %scan3A_23  : i32 {
      %mul3A_27 = arith.constant 2 : i32
      %mul3A_28 = arith.muli %scan3A_26, %mul3A_27 : i32
      %add3A_29 = arith.constant 0 : i32
      %add3A_30 = arith.addi %mul3A_28, %add3A_29 : i32
      %add3A_31 = arith.constant 1 : i32
      %add3A_32 = arith.addi %add3A_30, %add3A_31 : i32
      %dma_wait3A = arith.constant 0 : i32
      %dma_wait3A_33 = tpu.memref_slice %arg2[%add3A, %add3A_32, %dma_wait3A] : memref<32x80x128xi32, #tpu.memory_space<hbm>> -> memref<1x1x128xi32, #tpu.memory_space<hbm>>
      %dma_wait3A_34 = tpu.memref_squeeze %dma_wait3A_33 : memref<1x1x128xi32, #tpu.memory_space<hbm>> -> memref<128xi32, #tpu.memory_space<hbm>>
      %dma_wait3A_35 = arith.constant 0 : i32
      %dma_wait3A_36 = tpu.memref_slice %arg2[%add3A, %add3A_32, %dma_wait3A_35] : memref<32x80x128xi32, #tpu.memory_space<hbm>> -> memref<1x1x128xi32, #tpu.memory_space<hbm>>
      %dma_wait3A_37 = tpu.memref_squeeze %dma_wait3A_36 : memref<1x1x128xi32, #tpu.memory_space<hbm>> -> memref<128xi32, #tpu.memory_space<hbm>>
      tpu.wait_dma2 semaphore(%arg17 : memref<!tpu.dma_semaphore, #tpu.memory_space<semaphore_mem>>) src(%dma_wait3A_37 : memref<128xi32, #tpu.memory_space<hbm>>) dst(%arg8 : memref<128xi32, #tpu.memory_space<vmem>>)
      %add3A_38 = arith.constant 1 : i32
      %add3A_39 = arith.addi %add3A_30, %add3A_38 : i32
      %dma_wait3A_40 = arith.constant 0 : i32
      %dma_wait3A_41 = tpu.memref_slice %arg3[%add3A, %add3A_39, %dma_wait3A_40] : memref<32x80x128xi32, #tpu.memory_space<hbm>> -> memref<1x1x128xi32, #tpu.memory_space<hbm>>
      %dma_wait3A_42 = tpu.memref_squeeze %dma_wait3A_41 : memref<1x1x128xi32, #tpu.memory_space<hbm>> -> memref<128xi32, #tpu.memory_space<hbm>>
      %dma_wait3A_43 = arith.constant 0 : i32
      %dma_wait3A_44 = tpu.memref_slice %arg3[%add3A, %add3A_39, %dma_wait3A_43] : memref<32x80x128xi32, #tpu.memory_space<hbm>> -> memref<1x1x128xi32, #tpu.memory_space<hbm>>
      %dma_wait3A_45 = tpu.memref_squeeze %dma_wait3A_44 : memref<1x1x128xi32, #tpu.memory_space<hbm>> -> memref<128xi32, #tpu.memory_space<hbm>>
      tpu.wait_dma2 semaphore(%arg17 : memref<!tpu.dma_semaphore, #tpu.memory_space<semaphore_mem>>) src(%dma_wait3A_45 : memref<128xi32, #tpu.memory_space<hbm>>) dst(%arg10 : memref<128xi32, #tpu.memory_space<vmem>>)
      %dma_start3A_46 = arith.constant 0 : i32
      %dma_start3A_47 = arith.constant 0 : i32
      %dma_start3A_48 = tpu.memref_slice %arg4[%dma_start3A_46, %dma_start3A_47] : memref<10000x128xf32, #tpu.memory_space<hbm>> -> memref<10000x128xf32, #tpu.memory_space<hbm>>
      tpu.enqueue_indirect_dma source(%dma_start3A_48 : memref<10000x128xf32, #tpu.memory_space<hbm>>) target(%arg12 : memref<128x128xf32, #tpu.memory_space<vmem>>) offsets(%arg8 : memref<128xi32, #tpu.memory_space<vmem>>) semaphore(%arg15 : memref<!tpu.dma_semaphore, #tpu.memory_space<semaphore_mem>>)
      %dma_wait3A_49 = arith.constant 0 : i32
      %dma_wait3A_50 = arith.constant 0 : i32
      %dma_wait3A_51 = tpu.memref_slice %arg4[%dma_wait3A_49, %dma_wait3A_50] : memref<10000x128xf32, #tpu.memory_space<hbm>> -> memref<10000x128xf32, #tpu.memory_space<hbm>>
      tpu.wait_indirect_dma semaphore(%arg14 : memref<!tpu.dma_semaphore, #tpu.memory_space<semaphore_mem>>) src(%dma_wait3A_51 : memref<10000x128xf32, #tpu.memory_space<hbm>>) dst(%arg11 : memref<128x128xf32, #tpu.memory_space<vmem>>)
      "tpu.region"() ({
        %run_scoped3A_71 = tpu.sem_alloc : memref<!tpu.dma_semaphore, #tpu.memory_space<semaphore_mem>>
        %dma_start3A_72 = arith.constant 0 : i32
        %dma_start3A_73 = arith.constant 0 : i32
        %dma_start3A_74 = tpu.memref_slice %arg13[%dma_start3A_72, %dma_start3A_73] : memref<10240x128xf32, #tpu.memory_space<vmem_shared>> -> memref<10240x128xf32, #tpu.memory_space<vmem_shared>>
        tpu.enqueue_indirect_dma source(%arg11 : memref<128x128xf32, #tpu.memory_space<vmem>>) target(%dma_start3A_74 : memref<10240x128xf32, #tpu.memory_space<vmem_shared>>) offsets(%arg9 : memref<128xi32, #tpu.memory_space<vmem>>) semaphore(%run_scoped3A_71 : memref<!tpu.dma_semaphore, #tpu.memory_space<semaphore_mem>>) {add = true}
        %dma_wait3A_75 = arith.constant 0 : i32
        %dma_wait3A_76 = arith.constant 0 : i32
        %dma_wait3A_77 = tpu.memref_slice %arg13[%dma_wait3A_75, %dma_wait3A_76] : memref<10240x128xf32, #tpu.memory_space<vmem_shared>> -> memref<10240x128xf32, #tpu.memory_space<vmem_shared>>
        tpu.wait_indirect_dma semaphore(%run_scoped3A_71 : memref<!tpu.dma_semaphore, #tpu.memory_space<semaphore_mem>>) src(%arg11 : memref<128x128xf32, #tpu.memory_space<vmem>>) dst(%dma_wait3A_77 : memref<10240x128xf32, #tpu.memory_space<vmem_shared>>)
        tpu.yield
      }) : () -> ()
      %lt3A = arith.constant 39 : i32
      %lt3A_52 = arith.cmpi slt, %scan3A_26, %lt3A : i32
      %convert_element_type3A = arith.extui %lt3A_52 : i1 to i32
      %cond3A = arith.constant 0 : i32
      %cond3A_53 = arith.cmpi ne, %convert_element_type3A, %cond3A : i32
      scf.if %cond3A_53 {
        %add3A_71 = arith.constant 2 : i32
        %add3A_72 = arith.addi %add3A_30, %add3A_71 : i32
        %dma_start3A_73 = arith.constant 0 : i32
        %dma_start3A_74 = tpu.memref_slice %arg2[%add3A, %add3A_72, %dma_start3A_73] : memref<32x80x128xi32, #tpu.memory_space<hbm>> -> memref<1x1x128xi32, #tpu.memory_space<hbm>>
        %dma_start3A_75 = tpu.memref_squeeze %dma_start3A_74 : memref<1x1x128xi32, #tpu.memory_space<hbm>> -> memref<128xi32, #tpu.memory_space<hbm>>
        %dma_start3A_76 = arith.constant 0 : i32
        %dma_start3A_77 = tpu.memref_slice %arg2[%add3A, %add3A_72, %dma_start3A_76] : memref<32x80x128xi32, #tpu.memory_space<hbm>> -> memref<1x1x128xi32, #tpu.memory_space<hbm>>
        %dma_start3A_78 = tpu.memref_squeeze %dma_start3A_77 : memref<1x1x128xi32, #tpu.memory_space<hbm>> -> memref<128xi32, #tpu.memory_space<hbm>>
        tpu.enqueue_dma source(%dma_start3A_78 : memref<128xi32, #tpu.memory_space<hbm>>) target(%arg7 : memref<128xi32, #tpu.memory_space<vmem>>) target_semaphore(%arg16 : memref<!tpu.dma_semaphore, #tpu.memory_space<semaphore_mem>>)
        %add3A_79 = arith.constant 2 : i32
        %add3A_80 = arith.addi %add3A_30, %add3A_79 : i32
        %dma_start3A_81 = arith.constant 0 : i32
        %dma_start3A_82 = tpu.memref_slice %arg3[%add3A, %add3A_80, %dma_start3A_81] : memref<32x80x128xi32, #tpu.memory_space<hbm>> -> memref<1x1x128xi32, #tpu.memory_space<hbm>>
        %dma_start3A_83 = tpu.memref_squeeze %dma_start3A_82 : memref<1x1x128xi32, #tpu.memory_space<hbm>> -> memref<128xi32, #tpu.memory_space<hbm>>
        %dma_start3A_84 = arith.constant 0 : i32
        %dma_start3A_85 = tpu.memref_slice %arg3[%add3A, %add3A_80, %dma_start3A_84] : memref<32x80x128xi32, #tpu.memory_space<hbm>> -> memref<1x1x128xi32, #tpu.memory_space<hbm>>
        %dma_start3A_86 = tpu.memref_squeeze %dma_start3A_85 : memref<1x1x128xi32, #tpu.memory_space<hbm>> -> memref<128xi32, #tpu.memory_space<hbm>>
        tpu.enqueue_dma source(%dma_start3A_86 : memref<128xi32, #tpu.memory_space<hbm>>) target(%arg9 : memref<128xi32, #tpu.memory_space<vmem>>) target_semaphore(%arg16 : memref<!tpu.dma_semaphore, #tpu.memory_space<semaphore_mem>>)
      } else {
      }
      %mul3A_54 = arith.constant 2 : i32
      %mul3A_55 = arith.muli %scan3A_26, %mul3A_54 : i32
      %add3A_56 = arith.constant 1 : i32
      %add3A_57 = arith.addi %mul3A_55, %add3A_56 : i32
      %lt3A_58 = arith.constant 39 : i32
      %lt3A_59 = arith.cmpi slt, %scan3A_26, %lt3A_58 : i32
      %convert_element_type3A_60 = arith.extui %lt3A_59 : i1 to i32
      %cond3A_61 = arith.constant 0 : i32
      %cond3A_62 = arith.cmpi ne, %convert_element_type3A_60, %cond3A_61 : i32
      scf.if %cond3A_62 {
        %add3A_71 = arith.constant 1 : i32
        %add3A_72 = arith.addi %add3A_57, %add3A_71 : i32
        %dma_wait3A_73 = arith.constant 0 : i32
        %dma_wait3A_74 = tpu.memref_slice %arg2[%add3A, %add3A_72, %dma_wait3A_73] : memref<32x80x128xi32, #tpu.memory_space<hbm>> -> memref<1x1x128xi32, #tpu.memory_space<hbm>>
        %dma_wait3A_75 = tpu.memref_squeeze %dma_wait3A_74 : memref<1x1x128xi32, #tpu.memory_space<hbm>> -> memref<128xi32, #tpu.memory_space<hbm>>
        %dma_wait3A_76 = arith.constant 0 : i32
        %dma_wait3A_77 = tpu.memref_slice %arg2[%add3A, %add3A_72, %dma_wait3A_76] : memref<32x80x128xi32, #tpu.memory_space<hbm>> -> memref<1x1x128xi32, #tpu.memory_space<hbm>>
        %dma_wait3A_78 = tpu.memref_squeeze %dma_wait3A_77 : memref<1x1x128xi32, #tpu.memory_space<hbm>> -> memref<128xi32, #tpu.memory_space<hbm>>
        tpu.wait_dma2 semaphore(%arg16 : memref<!tpu.dma_semaphore, #tpu.memory_space<semaphore_mem>>) src(%dma_wait3A_78 : memref<128xi32, #tpu.memory_space<hbm>>) dst(%arg7 : memref<128xi32, #tpu.memory_space<vmem>>)
        %add3A_79 = arith.constant 1 : i32
        %add3A_80 = arith.addi %add3A_57, %add3A_79 : i32
        %dma_wait3A_81 = arith.constant 0 : i32
        %dma_wait3A_82 = tpu.memref_slice %arg3[%add3A, %add3A_80, %dma_wait3A_81] : memref<32x80x128xi32, #tpu.memory_space<hbm>> -> memref<1x1x128xi32, #tpu.memory_space<hbm>>
        %dma_wait3A_83 = tpu.memref_squeeze %dma_wait3A_82 : memref<1x1x128xi32, #tpu.memory_space<hbm>> -> memref<128xi32, #tpu.memory_space<hbm>>
        %dma_wait3A_84 = arith.constant 0 : i32
        %dma_wait3A_85 = tpu.memref_slice %arg3[%add3A, %add3A_80, %dma_wait3A_84] : memref<32x80x128xi32, #tpu.memory_space<hbm>> -> memref<1x1x128xi32, #tpu.memory_space<hbm>>
        %dma_wait3A_86 = tpu.memref_squeeze %dma_wait3A_85 : memref<1x1x128xi32, #tpu.memory_space<hbm>> -> memref<128xi32, #tpu.memory_space<hbm>>
        tpu.wait_dma2 semaphore(%arg16 : memref<!tpu.dma_semaphore, #tpu.memory_space<semaphore_mem>>) src(%dma_wait3A_86 : memref<128xi32, #tpu.memory_space<hbm>>) dst(%arg9 : memref<128xi32, #tpu.memory_space<vmem>>)
        %dma_start3A_87 = arith.constant 0 : i32
        %dma_start3A_88 = arith.constant 0 : i32
        %dma_start3A_89 = tpu.memref_slice %arg4[%dma_start3A_87, %dma_start3A_88] : memref<10000x128xf32, #tpu.memory_space<hbm>> -> memref<10000x128xf32, #tpu.memory_space<hbm>>
        tpu.enqueue_indirect_dma source(%dma_start3A_89 : memref<10000x128xf32, #tpu.memory_space<hbm>>) target(%arg11 : memref<128x128xf32, #tpu.memory_space<vmem>>) offsets(%arg7 : memref<128xi32, #tpu.memory_space<vmem>>) semaphore(%arg14 : memref<!tpu.dma_semaphore, #tpu.memory_space<semaphore_mem>>)
      } else {
      }
      %dma_wait3A_63 = arith.constant 0 : i32
      %dma_wait3A_64 = arith.constant 0 : i32
      %dma_wait3A_65 = tpu.memref_slice %arg4[%dma_wait3A_63, %dma_wait3A_64] : memref<10000x128xf32, #tpu.memory_space<hbm>> -> memref<10000x128xf32, #tpu.memory_space<hbm>>
      tpu.wait_indirect_dma semaphore(%arg15 : memref<!tpu.dma_semaphore, #tpu.memory_space<semaphore_mem>>) src(%dma_wait3A_65 : memref<10000x128xf32, #tpu.memory_space<hbm>>) dst(%arg12 : memref<128x128xf32, #tpu.memory_space<vmem>>)
      "tpu.region"() ({
        %run_scoped3A_71 = tpu.sem_alloc : memref<!tpu.dma_semaphore, #tpu.memory_space<semaphore_mem>>
        %dma_start3A_72 = arith.constant 0 : i32
        %dma_start3A_73 = arith.constant 0 : i32
        %dma_start3A_74 = tpu.memref_slice %arg13[%dma_start3A_72, %dma_start3A_73] : memref<10240x128xf32, #tpu.memory_space<vmem_shared>> -> memref<10240x128xf32, #tpu.memory_space<vmem_shared>>
        tpu.enqueue_indirect_dma source(%arg12 : memref<128x128xf32, #tpu.memory_space<vmem>>) target(%dma_start3A_74 : memref<10240x128xf32, #tpu.memory_space<vmem_shared>>) offsets(%arg10 : memref<128xi32, #tpu.memory_space<vmem>>) semaphore(%run_scoped3A_71 : memref<!tpu.dma_semaphore, #tpu.memory_space<semaphore_mem>>) {add = true}
        %dma_wait3A_75 = arith.constant 0 : i32
        %dma_wait3A_76 = arith.constant 0 : i32
        %dma_wait3A_77 = tpu.memref_slice %arg13[%dma_wait3A_75, %dma_wait3A_76] : memref<10240x128xf32, #tpu.memory_space<vmem_shared>> -> memref<10240x128xf32, #tpu.memory_space<vmem_shared>>
        tpu.wait_indirect_dma semaphore(%run_scoped3A_71 : memref<!tpu.dma_semaphore, #tpu.memory_space<semaphore_mem>>) src(%arg12 : memref<128x128xf32, #tpu.memory_space<vmem>>) dst(%dma_wait3A_77 : memref<10240x128xf32, #tpu.memory_space<vmem_shared>>)
        tpu.yield
      }) : () -> ()
      %lt3A_66 = arith.constant 39 : i32
      %lt3A_67 = arith.cmpi slt, %scan3A_26, %lt3A_66 : i32
      %convert_element_type3A_68 = arith.extui %lt3A_67 : i1 to i32
      %cond3A_69 = arith.constant 0 : i32
      %cond3A_70 = arith.cmpi ne, %convert_element_type3A_68, %cond3A_69 : i32
      scf.if %cond3A_70 {
        %add3A_71 = arith.constant 2 : i32
        %add3A_72 = arith.addi %add3A_57, %add3A_71 : i32
        %dma_start3A_73 = arith.constant 0 : i32
        %dma_start3A_74 = tpu.memref_slice %arg2[%add3A, %add3A_72, %dma_start3A_73] : memref<32x80x128xi32, #tpu.memory_space<hbm>> -> memref<1x1x128xi32, #tpu.memory_space<hbm>>
        %dma_start3A_75 = tpu.memref_squeeze %dma_start3A_74 : memref<1x1x128xi32, #tpu.memory_space<hbm>> -> memref<128xi32, #tpu.memory_space<hbm>>
        %dma_start3A_76 = arith.constant 0 : i32
        %dma_start3A_77 = tpu.memref_slice %arg2[%add3A, %add3A_72, %dma_start3A_76] : memref<32x80x128xi32, #tpu.memory_space<hbm>> -> memref<1x1x128xi32, #tpu.memory_space<hbm>>
        %dma_start3A_78 = tpu.memref_squeeze %dma_start3A_77 : memref<1x1x128xi32, #tpu.memory_space<hbm>> -> memref<128xi32, #tpu.memory_space<hbm>>
        tpu.enqueue_dma source(%dma_start3A_78 : memref<128xi32, #tpu.memory_space<hbm>>) target(%arg8 : memref<128xi32, #tpu.memory_space<vmem>>) target_semaphore(%arg17 : memref<!tpu.dma_semaphore, #tpu.memory_space<semaphore_mem>>)
        %add3A_79 = arith.constant 2 : i32
        %add3A_80 = arith.addi %add3A_57, %add3A_79 : i32
        %dma_start3A_81 = arith.constant 0 : i32
        %dma_start3A_82 = tpu.memref_slice %arg3[%add3A, %add3A_80, %dma_start3A_81] : memref<32x80x128xi32, #tpu.memory_space<hbm>> -> memref<1x1x128xi32, #tpu.memory_space<hbm>>
        %dma_start3A_83 = tpu.memref_squeeze %dma_start3A_82 : memref<1x1x128xi32, #tpu.memory_space<hbm>> -> memref<128xi32, #tpu.memory_space<hbm>>
        %dma_start3A_84 = arith.constant 0 : i32
        %dma_start3A_85 = tpu.memref_slice %arg3[%add3A, %add3A_80, %dma_start3A_84] : memref<32x80x128xi32, #tpu.memory_space<hbm>> -> memref<1x1x128xi32, #tpu.memory_space<hbm>>
        %dma_start3A_86 = tpu.memref_squeeze %dma_start3A_85 : memref<1x1x128xi32, #tpu.memory_space<hbm>> -> memref<128xi32, #tpu.memory_space<hbm>>
        tpu.enqueue_dma source(%dma_start3A_86 : memref<128xi32, #tpu.memory_space<hbm>>) target(%arg10 : memref<128xi32, #tpu.memory_space<vmem>>) target_semaphore(%arg17 : memref<!tpu.dma_semaphore, #tpu.memory_space<semaphore_mem>>)
      } else {
      }
    }
    %scan3A_24 = arith.constant 40 : i32
    %barrier3A_25 = arith.constant 0 : index
    tpu.barrier barrier_id(%barrier3A_25)
    "tpu.region"() ({
      %run_scoped3A_26 = tpu.sem_alloc : memref<!tpu.dma_semaphore, #tpu.memory_space<semaphore_mem>>
      %dma_start3A_27 = arith.constant 0 : i32
      %dma_start3A_28 = tpu.memref_slice %arg6[%arg0, %mul3A_2, %dma_start3A_27] : memref<2x10240x128xf32, #tpu.memory_space<hbm>> -> memref<1x640x128xf32, #tpu.memory_space<hbm>>
      %dma_start3A_29 = tpu.memref_squeeze %dma_start3A_28 : memref<1x640x128xf32, #tpu.memory_space<hbm>> -> memref<640x128xf32, #tpu.memory_space<hbm>>
      %dma_start3A_30 = arith.constant 0 : i32
      %dma_start3A_31 = tpu.memref_slice %arg13[%mul3A_2, %dma_start3A_30] : memref<10240x128xf32, #tpu.memory_space<vmem_shared>> -> memref<640x128xf32, #tpu.memory_space<vmem_shared>>
      tpu.enqueue_dma source(%dma_start3A_31 : memref<640x128xf32, #tpu.memory_space<vmem_shared>>) target(%dma_start3A_29 : memref<640x128xf32, #tpu.memory_space<hbm>>) target_semaphore(%run_scoped3A_26 : memref<!tpu.dma_semaphore, #tpu.memory_space<semaphore_mem>>)
      %dma_wait3A = arith.constant 0 : i32
      %dma_wait3A_32 = tpu.memref_slice %arg6[%arg0, %mul3A_2, %dma_wait3A] : memref<2x10240x128xf32, #tpu.memory_space<hbm>> -> memref<1x640x128xf32, #tpu.memory_space<hbm>>
      %dma_wait3A_33 = tpu.memref_squeeze %dma_wait3A_32 : memref<1x640x128xf32, #tpu.memory_space<hbm>> -> memref<640x128xf32, #tpu.memory_space<hbm>>
      %dma_wait3A_34 = arith.constant 0 : i32
      %dma_wait3A_35 = tpu.memref_slice %arg13[%mul3A_2, %dma_wait3A_34] : memref<10240x128xf32, #tpu.memory_space<vmem_shared>> -> memref<640x128xf32, #tpu.memory_space<vmem_shared>>
      tpu.wait_dma2 semaphore(%run_scoped3A_26 : memref<!tpu.dma_semaphore, #tpu.memory_space<semaphore_mem>>) src(%dma_wait3A_35 : memref<640x128xf32, #tpu.memory_space<vmem_shared>>) dst(%dma_wait3A_33 : memref<640x128xf32, #tpu.memory_space<hbm>>)
      tpu.yield
    }) : () -> ()
    return
  }
}

module attributes {stable_mosaic.version = 14 : i64} {
  func.func @_enc_body(%arg0: i32, %arg1: memref<2000x1xi32, #tpu.memory_space<vmem>>, %arg2: memref<2000x128xf32, #tpu.memory_space<vmem>>, %arg3: memref<256x64xf32, #tpu.memory_space<vmem>>, %arg4: memref<192x128xf32, #tpu.memory_space<vmem>>, %arg5: memref<1x128xf32, #tpu.memory_space<vmem>>, %arg6: memref<128x128xf32, #tpu.memory_space<vmem>>, %arg7: memref<2000x128xf32, #tpu.memory_space<vmem>>) attributes {dimension_semantics = [#tpu.dimension_semantics<arbitrary>], iteration_bounds = array<i64: 5>, scalar_prefetch = 0 : i64, scratch_operands = 0 : i64, tpu.core_type = #tpu.core_type<tc>, window_params = [{transform_indices = @transform_0, window_bounds = array<i64: 2000, 1>}, {transform_indices = @transform_1, window_bounds = array<i64: 2000, 128>}, {pipeline_mode = #tpu.pipeline_mode<synchronous>, transform_indices = @transform_2, window_bounds = array<i64: 256, 64>}, {pipeline_mode = #tpu.pipeline_mode<synchronous>, transform_indices = @transform_3, window_bounds = array<i64: 192, 128>}, {pipeline_mode = #tpu.pipeline_mode<synchronous>, transform_indices = @transform_4, window_bounds = array<i64: 1, 128>}, {pipeline_mode = #tpu.pipeline_mode<synchronous>, transform_indices = @transform_5, window_bounds = array<i64: 128, 128>}, {transform_indices = @transform_6, window_bounds = array<i64: 2000, 128>}]} {
    %get3A = arith.constant 0 : index
    %get3A_0 = arith.constant 0 : index
    %get3A_1 = vector.load %arg1[%get3A, %get3A_0] : memref<2000x1xi32, #tpu.memory_space<vmem>>, vector<2000x1xi32>
    %iota3A = tpu.iota {dimensions = array<i32: 1>} : vector<2000x256xi32>
    %eq3A = vector.broadcast %get3A_1 : vector<2000x1xi32> to vector<2000x256xi32>
    %eq3A_2 = arith.cmpi eq, %eq3A, %iota3A : vector<2000x256xi32>
    %convert_element_type3A = arith.extui %eq3A_2 : vector<2000x256xi1> to vector<2000x256xi32>
    %convert_element_type3A_3 = arith.sitofp %convert_element_type3A : vector<2000x256xi32> to vector<2000x256xf32>
    %get3A_4 = arith.constant 0 : index
    %get3A_5 = arith.constant 0 : index
    %get3A_6 = vector.load %arg3[%get3A_4, %get3A_5] : memref<256x64xf32, #tpu.memory_space<vmem>>, vector<256x64xf32>
    %get3A_7 = arith.constant 0 : index
    %get3A_8 = arith.constant 0 : index
    %get3A_9 = vector.load %arg4[%get3A_7, %get3A_8] : memref<192x128xf32, #tpu.memory_space<vmem>>, vector<64x128xf32>
    %dot_general3A = arith.constant dense<0.000000e+00> : vector<256x128xf32>
    %dot_general3A_10 = tpu.matmul %get3A_6, %get3A_9, %dot_general3A {dimension_numbers = #tpu.dot_dimension_numbers<[1], [0], [0], [1], [0, 0, 1, 1], [], []>, transpose_lhs_hint = false} : vector<256x64xf32>, vector<64x128xf32>, vector<256x128xf32> -> vector<256x128xf32>
    %dot_general3A_11 = arith.constant dense<0.000000e+00> : vector<2000x128xf32>
    %dot_general3A_12 = tpu.matmul %convert_element_type3A_3, %dot_general3A_10, %dot_general3A_11 {dimension_numbers = #tpu.dot_dimension_numbers<[1], [0], [0], [1], [0, 0, 1, 1], [], []>, transpose_lhs_hint = false} : vector<2000x256xf32>, vector<256x128xf32>, vector<2000x128xf32> -> vector<2000x128xf32>
    %get3A_13 = arith.constant 0 : index
    %get3A_14 = arith.constant 0 : index
    %get3A_15 = vector.load %arg2[%get3A_13, %get3A_14] : memref<2000x128xf32, #tpu.memory_space<vmem>>, vector<2000x128xf32>
    %get3A_16 = arith.constant 64 : index
    %get3A_17 = arith.constant 0 : index
    %get3A_18 = vector.load %arg4[%get3A_16, %get3A_17] : memref<192x128xf32, #tpu.memory_space<vmem>>, vector<128x128xf32>
    %dot_general3A_19 = arith.constant dense<0.000000e+00> : vector<2000x128xf32>
    %dot_general3A_20 = tpu.matmul %get3A_15, %get3A_18, %dot_general3A_19 {dimension_numbers = #tpu.dot_dimension_numbers<[1], [0], [0], [1], [0, 0, 1, 1], [], []>, transpose_lhs_hint = false} : vector<2000x128xf32>, vector<128x128xf32>, vector<2000x128xf32> -> vector<2000x128xf32>
    %add3A = arith.addf %dot_general3A_12, %dot_general3A_20 : vector<2000x128xf32>
    %get3A_21 = arith.constant 0 : index
    %get3A_22 = arith.constant 0 : index
    %get3A_23 = vector.load %arg5[%get3A_21, %get3A_22] : memref<1x128xf32, #tpu.memory_space<vmem>>, vector<1x128xf32>
    %add3A_24 = vector.broadcast %get3A_23 : vector<1x128xf32> to vector<2000x128xf32>
    %add3A_25 = arith.addf %add3A, %add3A_24 : vector<2000x128xf32>
    %get3A_26 = arith.constant 0 : index
    %get3A_27 = arith.constant 0 : index
    %get3A_28 = vector.load %arg6[%get3A_26, %get3A_27] : memref<128x128xf32, #tpu.memory_space<vmem>>, vector<128x128xf32>
    %dot_general3A_29 = arith.constant dense<0.000000e+00> : vector<2000x128xf32>
    %dot_general3A_30 = tpu.matmul %add3A_25, %get3A_28, %dot_general3A_29 {dimension_numbers = #tpu.dot_dimension_numbers<[1], [0], [0], [1], [0, 0, 1, 1], [], []>, transpose_lhs_hint = false} : vector<2000x128xf32>, vector<128x128xf32>, vector<2000x128xf32> -> vector<2000x128xf32>
    %swap3A = arith.constant 0 : index
    %swap3A_31 = arith.constant 0 : index
    %swap3A_32 = vector.load %arg7[%swap3A, %swap3A_31] : memref<2000x128xf32, #tpu.memory_space<vmem>>, vector<2000x128xf32>
    tpu.vector_store %arg7[%swap3A, %swap3A_31], %dot_general3A_30 {strides = array<i32>} : memref<2000x128xf32, #tpu.memory_space<vmem>>, vector<2000x128xf32>,
    return
  }
  func.func @transform_0(%arg0: i32) -> (i32, i32) {
    %c0_i32 = arith.constant 0 : i32
    %c0_i32_0 = arith.constant 0 : i32
    return %arg0, %c0_i32 : i32, i32
  }
  func.func @transform_1(%arg0: i32) -> (i32, i32) {
    %c0_i32 = arith.constant 0 : i32
    %c0_i32_0 = arith.constant 0 : i32
    return %arg0, %c0_i32 : i32, i32
  }
  func.func @transform_2(%arg0: i32) -> (i32, i32) {
    %c0_i32 = arith.constant 0 : i32
    %c0_i32_0 = arith.constant 0 : i32
    %c0_i32_1 = arith.constant 0 : i32
    return %c0_i32, %c0_i32_0 : i32, i32
  }
  func.func @transform_3(%arg0: i32) -> (i32, i32) {
    %c0_i32 = arith.constant 0 : i32
    %c0_i32_0 = arith.constant 0 : i32
    %c0_i32_1 = arith.constant 0 : i32
    return %c0_i32, %c0_i32_0 : i32, i32
  }
  func.func @transform_4(%arg0: i32) -> (i32, i32) {
    %c0_i32 = arith.constant 0 : i32
    %c0_i32_0 = arith.constant 0 : i32
    %c0_i32_1 = arith.constant 0 : i32
    return %c0_i32, %c0_i32_0 : i32, i32
  }
  func.func @transform_5(%arg0: i32) -> (i32, i32) {
    %c0_i32 = arith.constant 0 : i32
    %c0_i32_0 = arith.constant 0 : i32
    %c0_i32_1 = arith.constant 0 : i32
    return %c0_i32, %c0_i32_0 : i32, i32
  }
  func.func @transform_6(%arg0: i32) -> (i32, i32) {
    %c0_i32 = arith.constant 0 : i32
    %c0_i32_0 = arith.constant 0 : i32
    return %arg0, %c0_i32 : i32, i32
  }
}

module attributes {stable_mosaic.version = 14 : i64} {
  func.func @_dis_body(%arg0: i32, %arg1: memref<2000x32xf32, #tpu.memory_space<vmem>>, %arg2: memref<2000x128xf32, #tpu.memory_space<vmem>>, %arg3: memref<2000x1xf32, #tpu.memory_space<vmem>>, %arg4: memref<2000x128xf32, #tpu.memory_space<vmem>>) attributes {dimension_semantics = [#tpu.dimension_semantics<arbitrary>], iteration_bounds = array<i64: 5>, scalar_prefetch = 0 : i64, scratch_operands = 0 : i64, tpu.core_type = #tpu.core_type<tc>, window_params = [{transform_indices = @transform_0, window_bounds = array<i64: 2000, 32>}, {transform_indices = @transform_1, window_bounds = array<i64: 2000, 128>}, {transform_indices = @transform_2, window_bounds = array<i64: 2000, 1>}, {transform_indices = @transform_3, window_bounds = array<i64: 2000, 128>}]} {
    %get3A = arith.constant 0 : index
    %get3A_0 = arith.constant 0 : index
    %get3A_1 = vector.load %arg1[%get3A, %get3A_0] : memref<2000x32xf32, #tpu.memory_space<vmem>>, vector<2000x32xf32>
    %reduce_sum3A = arith.constant dense<0.000000e+00> : vector<2000xf32>
    %reduce_sum3A_2 = vector.multi_reduction <add>, %get3A_1, %reduce_sum3A [1] : vector<2000x32xf32> to vector<2000xf32>
    %broadcast_in_dim3A = vector.shape_cast %reduce_sum3A_2 : vector<2000xf32> to vector<2000x1xf32>
    %add3A = arith.constant 1.000000e+00 : f32
    %add3A_3 = vector.broadcast %add3A : f32 to vector<2000x1xf32>
    %add3A_4 = arith.addf %broadcast_in_dim3A, %add3A_3 : vector<2000x1xf32>
    %rsqrt3A = math.rsqrt %add3A_4 : vector<2000x1xf32>
    %swap3A = arith.constant 0 : index
    %swap3A_5 = arith.constant 0 : index
    %swap3A_6 = vector.load %arg3[%swap3A, %swap3A_5] : memref<2000x1xf32, #tpu.memory_space<vmem>>, vector<2000x1xf32>
    tpu.vector_store %arg3[%swap3A, %swap3A_5], %rsqrt3A {strides = array<i32>} : memref<2000x1xf32, #tpu.memory_space<vmem>>, vector<2000x1xf32>,
    %get3A_7 = arith.constant 0 : index
    %get3A_8 = arith.constant 0 : index
    %get3A_9 = vector.load %arg2[%get3A_7, %get3A_8] : memref<2000x128xf32, #tpu.memory_space<vmem>>, vector<2000x128xf32>
    %mul3A = vector.broadcast %rsqrt3A : vector<2000x1xf32> to vector<2000x128xf32>
    %mul3A_10 = arith.mulf %get3A_9, %mul3A : vector<2000x128xf32>
    %swap3A_11 = arith.constant 0 : index
    %swap3A_12 = arith.constant 0 : index
    %swap3A_13 = vector.load %arg4[%swap3A_11, %swap3A_12] : memref<2000x128xf32, #tpu.memory_space<vmem>>, vector<2000x128xf32>
    tpu.vector_store %arg4[%swap3A_11, %swap3A_12], %mul3A_10 {strides = array<i32>} : memref<2000x128xf32, #tpu.memory_space<vmem>>, vector<2000x128xf32>,
    return
  }
  func.func @transform_0(%arg0: i32) -> (i32, i32) {
    %c0_i32 = arith.constant 0 : i32
    %c0_i32_0 = arith.constant 0 : i32
    return %arg0, %c0_i32 : i32, i32
  }
  func.func @transform_1(%arg0: i32) -> (i32, i32) {
    %c0_i32 = arith.constant 0 : i32
    %c0_i32_0 = arith.constant 0 : i32
    return %arg0, %c0_i32 : i32, i32
  }
  func.func @transform_2(%arg0: i32) -> (i32, i32) {
    %c0_i32 = arith.constant 0 : i32
    %c0_i32_0 = arith.constant 0 : i32
    return %arg0, %c0_i32 : i32, i32
  }
  func.func @transform_3(%arg0: i32) -> (i32, i32) {
    %c0_i32 = arith.constant 0 : i32
    %c0_i32_0 = arith.constant 0 : i32
    return %arg0, %c0_i32 : i32, i32
  }
}

module attributes {stable_mosaic.version = 14 : i64} {
  func.func @_comb_body(%arg0: i32, %arg1: memref<2x2000x128xf32, #tpu.memory_space<vmem>>, %arg2: memref<2000x128xf32, #tpu.memory_space<vmem>>, %arg3: memref<2000x1xf32, #tpu.memory_space<vmem>>, %arg4: memref<1x128xf32, #tpu.memory_space<vmem>>, %arg5: memref<128x128xf32, #tpu.memory_space<vmem>>, %arg6: memref<2000x128xf32, #tpu.memory_space<vmem>>) attributes {dimension_semantics = [#tpu.dimension_semantics<arbitrary>], iteration_bounds = array<i64: 5>, scalar_prefetch = 0 : i64, scratch_operands = 0 : i64, tpu.core_type = #tpu.core_type<tc>, window_params = [{transform_indices = @transform_0, window_bounds = array<i64: 2, 2000, 128>}, {transform_indices = @transform_1, window_bounds = array<i64: 2000, 128>}, {transform_indices = @transform_2, window_bounds = array<i64: 2000, 1>}, {pipeline_mode = #tpu.pipeline_mode<synchronous>, transform_indices = @transform_3, window_bounds = array<i64: 1, 128>}, {pipeline_mode = #tpu.pipeline_mode<synchronous>, transform_indices = @transform_4, window_bounds = array<i64: 128, 128>}, {transform_indices = @transform_5, window_bounds = array<i64: 2000, 128>}]} {
    %get3A = arith.constant 0 : index
    %get3A_0 = arith.constant 0 : index
    %get3A_1 = arith.constant 0 : index
    %get3A_2 = vector.load %arg1[%get3A, %get3A_0, %get3A_1] : memref<2x2000x128xf32, #tpu.memory_space<vmem>>, vector<2x2000x128xf32>
    %reduce_sum3A = arith.constant dense<0.000000e+00> : vector<2000x128xf32>
    %reduce_sum3A_3 = vector.multi_reduction <add>, %get3A_2, %reduce_sum3A [0] : vector<2x2000x128xf32> to vector<2000x128xf32>
    %get3A_4 = arith.constant 0 : index
    %get3A_5 = arith.constant 0 : index
    %get3A_6 = vector.load %arg2[%get3A_4, %get3A_5] : memref<2000x128xf32, #tpu.memory_space<vmem>>, vector<2000x128xf32>
    %add3A = arith.addf %reduce_sum3A_3, %get3A_6 : vector<2000x128xf32>
    %get3A_7 = arith.constant 0 : index
    %get3A_8 = arith.constant 0 : index
    %get3A_9 = vector.load %arg3[%get3A_7, %get3A_8] : memref<2000x1xf32, #tpu.memory_space<vmem>>, vector<2000x1xf32>
    %mul3A = vector.broadcast %get3A_9 : vector<2000x1xf32> to vector<2000x128xf32>
    %mul3A_10 = arith.mulf %add3A, %mul3A : vector<2000x128xf32>
    %get3A_11 = arith.constant 0 : index
    %get3A_12 = arith.constant 0 : index
    %get3A_13 = vector.load %arg4[%get3A_11, %get3A_12] : memref<1x128xf32, #tpu.memory_space<vmem>>, vector<1x128xf32>
    %add3A_14 = vector.broadcast %get3A_13 : vector<1x128xf32> to vector<2000x128xf32>
    %add3A_15 = arith.addf %mul3A_10, %add3A_14 : vector<2000x128xf32>
    %max3A = arith.constant 0.000000e+00 : f32
    %max3A_16 = vector.broadcast %max3A : f32 to vector<2000x128xf32>
    %max3A_17 = arith.maximumf %add3A_15, %max3A_16 : vector<2000x128xf32>
    %get3A_18 = arith.constant 0 : index
    %get3A_19 = arith.constant 0 : index
    %get3A_20 = vector.load %arg5[%get3A_18, %get3A_19] : memref<128x128xf32, #tpu.memory_space<vmem>>, vector<128x128xf32>
    %dot_general3A = arith.constant dense<0.000000e+00> : vector<2000x128xf32>
    %dot_general3A_21 = tpu.matmul %max3A_17, %get3A_20, %dot_general3A {dimension_numbers = #tpu.dot_dimension_numbers<[1], [0], [0], [1], [0, 0, 1, 1], [], []>, transpose_lhs_hint = false} : vector<2000x128xf32>, vector<128x128xf32>, vector<2000x128xf32> -> vector<2000x128xf32>
    %get3A_22 = arith.constant 0 : index
    %get3A_23 = arith.constant 0 : index
    %get3A_24 = vector.load %arg3[%get3A_22, %get3A_23] : memref<2000x1xf32, #tpu.memory_space<vmem>>, vector<2000x1xf32>
    %mul3A_25 = vector.broadcast %get3A_24 : vector<2000x1xf32> to vector<2000x128xf32>
    %mul3A_26 = arith.mulf %dot_general3A_21, %mul3A_25 : vector<2000x128xf32>
    %swap3A = arith.constant 0 : index
    %swap3A_27 = arith.constant 0 : index
    %swap3A_28 = vector.load %arg6[%swap3A, %swap3A_27] : memref<2000x128xf32, #tpu.memory_space<vmem>>, vector<2000x128xf32>
    tpu.vector_store %arg6[%swap3A, %swap3A_27], %mul3A_26 {strides = array<i32>} : memref<2000x128xf32, #tpu.memory_space<vmem>>, vector<2000x128xf32>,
    return
  }
  func.func @transform_0(%arg0: i32) -> (i32, i32, i32) {
    %c0_i32 = arith.constant 0 : i32
    %c0_i32_0 = arith.constant 0 : i32
    %c0_i32_1 = arith.constant 0 : i32
    return %c0_i32, %arg0, %c0_i32_0 : i32, i32, i32
  }
  func.func @transform_1(%arg0: i32) -> (i32, i32) {
    %c0_i32 = arith.constant 0 : i32
    %c0_i32_0 = arith.constant 0 : i32
    return %arg0, %c0_i32 : i32, i32
  }
  func.func @transform_2(%arg0: i32) -> (i32, i32) {
    %c0_i32 = arith.constant 0 : i32
    %c0_i32_0 = arith.constant 0 : i32
    return %arg0, %c0_i32 : i32, i32
  }
  func.func @transform_3(%arg0: i32) -> (i32, i32) {
    %c0_i32 = arith.constant 0 : i32
    %c0_i32_0 = arith.constant 0 : i32
    %c0_i32_1 = arith.constant 0 : i32
    return %c0_i32, %c0_i32_0 : i32, i32
  }
  func.func @transform_4(%arg0: i32) -> (i32, i32) {
    %c0_i32 = arith.constant 0 : i32
    %c0_i32_0 = arith.constant 0 : i32
    %c0_i32_1 = arith.constant 0 : i32
    return %c0_i32, %c0_i32_0 : i32, i32
  }
  func.func @transform_5(%arg0: i32) -> (i32, i32) {
    %c0_i32 = arith.constant 0 : i32
    %c0_i32_0 = arith.constant 0 : i32
    return %arg0, %c0_i32 : i32, i32
  }
}

module attributes {stable_mosaic.version = 14 : i64} {
  func.func @_head_body(%arg0: i32, %arg1: memref<2x2000x128xf32, #tpu.memory_space<vmem>>, %arg2: memref<2000x128xf32, #tpu.memory_space<vmem>>, %arg3: memref<2000x1xf32, #tpu.memory_space<vmem>>, %arg4: memref<1x128xf32, #tpu.memory_space<vmem>>, %arg5: memref<128x128xf32, #tpu.memory_space<vmem>>, %arg6: memref<1x128xf32, #tpu.memory_space<vmem>>, %arg7: memref<128x1xf32, #tpu.memory_space<vmem>>, %arg8: memref<1x1xf32, #tpu.memory_space<vmem>>, %arg9: memref<2000x1xi32, #tpu.memory_space<vmem>>, %arg10: memref<2000x1xf32, #tpu.memory_space<vmem>>, %arg11: memref<16x128xf32, #tpu.memory_space<vmem>>, %arg12: memref<16x128xf32, #tpu.memory_space<vmem>>, %arg13: memref<16x128xf32, #tpu.memory_space<vmem>>) attributes {dimension_semantics = [#tpu.dimension_semantics<arbitrary>], iteration_bounds = array<i64: 5>, scalar_prefetch = 0 : i64, scratch_operands = 0 : i64, tpu.core_type = #tpu.core_type<tc>, window_params = [{transform_indices = @transform_0, window_bounds = array<i64: 2, 2000, 128>}, {transform_indices = @transform_1, window_bounds = array<i64: 2000, 128>}, {transform_indices = @transform_2, window_bounds = array<i64: 2000, 1>}, {pipeline_mode = #tpu.pipeline_mode<synchronous>, transform_indices = @transform_3, window_bounds = array<i64: 1, 128>}, {pipeline_mode = #tpu.pipeline_mode<synchronous>, transform_indices = @transform_4, window_bounds = array<i64: 128, 128>}, {pipeline_mode = #tpu.pipeline_mode<synchronous>, transform_indices = @transform_5, window_bounds = array<i64: 1, 128>}, {pipeline_mode = #tpu.pipeline_mode<synchronous>, transform_indices = @transform_6, window_bounds = array<i64: 128, 1>}, {pipeline_mode = #tpu.pipeline_mode<synchronous>, transform_indices = @transform_7, window_bounds = array<i64: 1, 1>}, {transform_indices = @transform_8, window_bounds = array<i64: 2000, 1>}, {transform_indices = @transform_9, window_bounds = array<i64: 2000, 1>}, {pipeline_mode = #tpu.pipeline_mode<synchronous>, transform_indices = @transform_10, window_bounds = array<i64: 16, 128>}, {pipeline_mode = #tpu.pipeline_mode<synchronous>, transform_indices = @transform_11, window_bounds = array<i64: 16, 128>}, {pipeline_mode = #tpu.pipeline_mode<synchronous>, transform_indices = @transform_12, window_bounds = array<i64: 16, 128>}]} {
    %get3A = arith.constant 0 : index
    %get3A_0 = arith.constant 0 : index
    %get3A_1 = arith.constant 0 : index
    %get3A_2 = vector.load %arg1[%get3A, %get3A_0, %get3A_1] : memref<2x2000x128xf32, #tpu.memory_space<vmem>>, vector<2x2000x128xf32>
    %reduce_sum3A = arith.constant dense<0.000000e+00> : vector<2000x128xf32>
    %reduce_sum3A_3 = vector.multi_reduction <add>, %get3A_2, %reduce_sum3A [0] : vector<2x2000x128xf32> to vector<2000x128xf32>
    %get3A_4 = arith.constant 0 : index
    %get3A_5 = arith.constant 0 : index
    %get3A_6 = vector.load %arg2[%get3A_4, %get3A_5] : memref<2000x128xf32, #tpu.memory_space<vmem>>, vector<2000x128xf32>
    %add3A = arith.addf %reduce_sum3A_3, %get3A_6 : vector<2000x128xf32>
    %get3A_7 = arith.constant 0 : index
    %get3A_8 = arith.constant 0 : index
    %get3A_9 = vector.load %arg3[%get3A_7, %get3A_8] : memref<2000x1xf32, #tpu.memory_space<vmem>>, vector<2000x1xf32>
    %mul3A = vector.broadcast %get3A_9 : vector<2000x1xf32> to vector<2000x128xf32>
    %mul3A_10 = arith.mulf %add3A, %mul3A : vector<2000x128xf32>
    %get3A_11 = arith.constant 0 : index
    %get3A_12 = arith.constant 0 : index
    %get3A_13 = vector.load %arg4[%get3A_11, %get3A_12] : memref<1x128xf32, #tpu.memory_space<vmem>>, vector<1x128xf32>
    %add3A_14 = vector.broadcast %get3A_13 : vector<1x128xf32> to vector<2000x128xf32>
    %add3A_15 = arith.addf %mul3A_10, %add3A_14 : vector<2000x128xf32>
    %max3A = arith.constant 0.000000e+00 : f32
    %max3A_16 = vector.broadcast %max3A : f32 to vector<2000x128xf32>
    %max3A_17 = arith.maximumf %add3A_15, %max3A_16 : vector<2000x128xf32>
    %get3A_18 = arith.constant 0 : index
    %get3A_19 = arith.constant 0 : index
    %get3A_20 = vector.load %arg5[%get3A_18, %get3A_19] : memref<128x128xf32, #tpu.memory_space<vmem>>, vector<128x128xf32>
    %dot_general3A = arith.constant dense<0.000000e+00> : vector<2000x128xf32>
    %dot_general3A_21 = tpu.matmul %max3A_17, %get3A_20, %dot_general3A {dimension_numbers = #tpu.dot_dimension_numbers<[1], [0], [0], [1], [0, 0, 1, 1], [], []>, transpose_lhs_hint = false} : vector<2000x128xf32>, vector<128x128xf32>, vector<2000x128xf32> -> vector<2000x128xf32>
    %get3A_22 = arith.constant 0 : index
    %get3A_23 = arith.constant 0 : index
    %get3A_24 = vector.load %arg6[%get3A_22, %get3A_23] : memref<1x128xf32, #tpu.memory_space<vmem>>, vector<1x128xf32>
    %add3A_25 = vector.broadcast %get3A_24 : vector<1x128xf32> to vector<2000x128xf32>
    %add3A_26 = arith.addf %dot_general3A_21, %add3A_25 : vector<2000x128xf32>
    %max3A_27 = arith.constant 0.000000e+00 : f32
    %max3A_28 = vector.broadcast %max3A_27 : f32 to vector<2000x128xf32>
    %max3A_29 = arith.maximumf %add3A_26, %max3A_28 : vector<2000x128xf32>
    %get3A_30 = arith.constant 0 : index
    %get3A_31 = arith.constant 0 : index
    %get3A_32 = vector.load %arg7[%get3A_30, %get3A_31] : memref<128x1xf32, #tpu.memory_space<vmem>>, vector<128x1xf32>
    %dot_general3A_33 = arith.constant dense<0.000000e+00> : vector<2000x1xf32>
    %dot_general3A_34 = tpu.matmul %max3A_29, %get3A_32, %dot_general3A_33 {dimension_numbers = #tpu.dot_dimension_numbers<[1], [0], [0], [1], [0, 0, 1, 1], [], []>, transpose_lhs_hint = false} : vector<2000x128xf32>, vector<128x1xf32>, vector<2000x1xf32> -> vector<2000x1xf32>
    %get3A_35 = arith.constant 0 : index
    %get3A_36 = arith.constant 0 : index
    %get3A_37 = vector.load %arg8[%get3A_35, %get3A_36] : memref<1x1xf32, #tpu.memory_space<vmem>>, vector<1x1xf32>
    %add3A_38 = vector.broadcast %get3A_37 : vector<1x1xf32> to vector<2000x1xf32>
    %add3A_39 = arith.addf %dot_general3A_34, %add3A_38 : vector<2000x1xf32>
    %swap3A = arith.constant 0 : index
    %swap3A_40 = arith.constant 0 : index
    %swap3A_41 = vector.load %arg10[%swap3A, %swap3A_40] : memref<2000x1xf32, #tpu.memory_space<vmem>>, vector<2000x1xf32>
    tpu.vector_store %arg10[%swap3A, %swap3A_40], %add3A_39 {strides = array<i32>} : memref<2000x1xf32, #tpu.memory_space<vmem>>, vector<2000x1xf32>,
    %get3A_42 = arith.constant 0 : index
    %get3A_43 = arith.constant 0 : index
    %get3A_44 = vector.load %arg9[%get3A_42, %get3A_43] : memref<2000x1xi32, #tpu.memory_space<vmem>>, vector<2000x1xi32>
    %iota3A = tpu.iota {dimensions = array<i32: 1>} : vector<2000x16xi32>
    %eq3A = vector.broadcast %get3A_44 : vector<2000x1xi32> to vector<2000x16xi32>
    %eq3A_45 = arith.cmpi eq, %eq3A, %iota3A : vector<2000x16xi32>
    %convert_element_type3A = arith.extui %eq3A_45 : vector<2000x16xi1> to vector<2000x16xi32>
    %convert_element_type3A_46 = arith.sitofp %convert_element_type3A : vector<2000x16xi32> to vector<2000x16xf32>
    %dot_general3A_47 = arith.constant dense<0.000000e+00> : vector<16x128xf32>
    %dot_general3A_48 = tpu.matmul %convert_element_type3A_46, %max3A_17, %dot_general3A_47 {dimension_numbers = #tpu.dot_dimension_numbers<[0], [0], [1], [1], [0, 1, 1, 1], [], []>, transpose_lhs_hint = false} : vector<2000x16xf32>, vector<2000x128xf32>, vector<16x128xf32> -> vector<16x128xf32>
    %dot_general3A_49 = arith.constant dense<0.000000e+00> : vector<16x128xf32>
    %dot_general3A_50 = tpu.matmul %convert_element_type3A_46, %max3A_29, %dot_general3A_49 {dimension_numbers = #tpu.dot_dimension_numbers<[0], [0], [1], [1], [0, 1, 1, 1], [], []>, transpose_lhs_hint = false} : vector<2000x16xf32>, vector<2000x128xf32>, vector<16x128xf32> -> vector<16x128xf32>
    %broadcast_in_dim3A = arith.constant 1.000000e+00 : f32
    %broadcast_in_dim3A_51 = vector.broadcast %broadcast_in_dim3A : f32 to vector<2000x128xf32>
    %dot_general3A_52 = arith.constant dense<0.000000e+00> : vector<16x128xf32>
    %dot_general3A_53 = tpu.matmul %convert_element_type3A_46, %broadcast_in_dim3A_51, %dot_general3A_52 {dimension_numbers = #tpu.dot_dimension_numbers<[0], [0], [1], [1], [0, 1, 1, 1], [], []>, transpose_lhs_hint = false} : vector<2000x16xf32>, vector<2000x128xf32>, vector<16x128xf32> -> vector<16x128xf32>
    %eq3A_54 = arith.constant 0 : i32
    %eq3A_55 = arith.cmpi eq, %arg0, %eq3A_54 : i32
    %convert_element_type3A_56 = arith.extui %eq3A_55 : i1 to i32
    %cond3A = arith.constant 0 : i32
    %cond3A_57 = arith.cmpi ne, %convert_element_type3A_56, %cond3A : i32
    scf.if %cond3A_57 {
      %broadcast_in_dim3A_79 = arith.constant 0.000000e+00 : f32
      %broadcast_in_dim3A_80 = vector.broadcast %broadcast_in_dim3A_79 : f32 to vector<16x128xf32>
      %swap3A_81 = arith.constant 0 : index
      %swap3A_82 = arith.constant 0 : index
      %swap3A_83 = vector.load %arg11[%swap3A_81, %swap3A_82] : memref<16x128xf32, #tpu.memory_space<vmem>>, vector<16x128xf32>
      tpu.vector_store %arg11[%swap3A_81, %swap3A_82], %broadcast_in_dim3A_80 {strides = array<i32>} : memref<16x128xf32, #tpu.memory_space<vmem>>, vector<16x128xf32>,
      %broadcast_in_dim3A_84 = arith.constant 0.000000e+00 : f32
      %broadcast_in_dim3A_85 = vector.broadcast %broadcast_in_dim3A_84 : f32 to vector<16x128xf32>
      %swap3A_86 = arith.constant 0 : index
      %swap3A_87 = arith.constant 0 : index
      %swap3A_88 = vector.load %arg12[%swap3A_86, %swap3A_87] : memref<16x128xf32, #tpu.memory_space<vmem>>, vector<16x128xf32>
      tpu.vector_store %arg12[%swap3A_86, %swap3A_87], %broadcast_in_dim3A_85 {strides = array<i32>} : memref<16x128xf32, #tpu.memory_space<vmem>>, vector<16x128xf32>,
      %broadcast_in_dim3A_89 = arith.constant 0.000000e+00 : f32
      %broadcast_in_dim3A_90 = vector.broadcast %broadcast_in_dim3A_89 : f32 to vector<16x128xf32>
      %swap3A_91 = arith.constant 0 : index
      %swap3A_92 = arith.constant 0 : index
      %swap3A_93 = vector.load %arg13[%swap3A_91, %swap3A_92] : memref<16x128xf32, #tpu.memory_space<vmem>>, vector<16x128xf32>
      tpu.vector_store %arg13[%swap3A_91, %swap3A_92], %broadcast_in_dim3A_90 {strides = array<i32>} : memref<16x128xf32, #tpu.memory_space<vmem>>, vector<16x128xf32>,
    } else {
    }
    %get3A_58 = arith.constant 0 : index
    %get3A_59 = arith.constant 0 : index
    %get3A_60 = vector.load %arg11[%get3A_58, %get3A_59] : memref<16x128xf32, #tpu.memory_space<vmem>>, vector<16x128xf32>
    %add3A_61 = arith.addf %get3A_60, %dot_general3A_48 : vector<16x128xf32>
    %swap3A_62 = arith.constant 0 : index
    %swap3A_63 = arith.constant 0 : index
    %swap3A_64 = vector.load %arg11[%swap3A_62, %swap3A_63] : memref<16x128xf32, #tpu.memory_space<vmem>>, vector<16x128xf32>
    tpu.vector_store %arg11[%swap3A_62, %swap3A_63], %add3A_61 {strides = array<i32>} : memref<16x128xf32, #tpu.memory_space<vmem>>, vector<16x128xf32>,
    %get3A_65 = arith.constant 0 : index
    %get3A_66 = arith.constant 0 : index
    %get3A_67 = vector.load %arg12[%get3A_65, %get3A_66] : memref<16x128xf32, #tpu.memory_space<vmem>>, vector<16x128xf32>
    %add3A_68 = arith.addf %get3A_67, %dot_general3A_50 : vector<16x128xf32>
    %swap3A_69 = arith.constant 0 : index
    %swap3A_70 = arith.constant 0 : index
    %swap3A_71 = vector.load %arg12[%swap3A_69, %swap3A_70] : memref<16x128xf32, #tpu.memory_space<vmem>>, vector<16x128xf32>
    tpu.vector_store %arg12[%swap3A_69, %swap3A_70], %add3A_68 {strides = array<i32>} : memref<16x128xf32, #tpu.memory_space<vmem>>, vector<16x128xf32>,
    %get3A_72 = arith.constant 0 : index
    %get3A_73 = arith.constant 0 : index
    %get3A_74 = vector.load %arg13[%get3A_72, %get3A_73] : memref<16x128xf32, #tpu.memory_space<vmem>>, vector<16x128xf32>
    %add3A_75 = arith.addf %get3A_74, %dot_general3A_53 : vector<16x128xf32>
    %swap3A_76 = arith.constant 0 : index
    %swap3A_77 = arith.constant 0 : index
    %swap3A_78 = vector.load %arg13[%swap3A_76, %swap3A_77] : memref<16x128xf32, #tpu.memory_space<vmem>>, vector<16x128xf32>
    tpu.vector_store %arg13[%swap3A_76, %swap3A_77], %add3A_75 {strides = array<i32>} : memref<16x128xf32, #tpu.memory_space<vmem>>, vector<16x128xf32>,
    return
  }
  func.func @transform_0(%arg0: i32) -> (i32, i32, i32) {
    %c0_i32 = arith.constant 0 : i32
    %c0_i32_0 = arith.constant 0 : i32
    %c0_i32_1 = arith.constant 0 : i32
    return %c0_i32, %arg0, %c0_i32_0 : i32, i32, i32
  }
  func.func @transform_1(%arg0: i32) -> (i32, i32) {
    %c0_i32 = arith.constant 0 : i32
    %c0_i32_0 = arith.constant 0 : i32
    return %arg0, %c0_i32 : i32, i32
  }
  func.func @transform_2(%arg0: i32) -> (i32, i32) {
    %c0_i32 = arith.constant 0 : i32
    %c0_i32_0 = arith.constant 0 : i32
    return %arg0, %c0_i32 : i32, i32
  }
  func.func @transform_3(%arg0: i32) -> (i32, i32) {
    %c0_i32 = arith.constant 0 : i32
    %c0_i32_0 = arith.constant 0 : i32
    %c0_i32_1 = arith.constant 0 : i32
    return %c0_i32, %c0_i32_0 : i32, i32
  }
  func.func @transform_4(%arg0: i32) -> (i32, i32) {
    %c0_i32 = arith.constant 0 : i32
    %c0_i32_0 = arith.constant 0 : i32
    %c0_i32_1 = arith.constant 0 : i32
    return %c0_i32, %c0_i32_0 : i32, i32
  }
  func.func @transform_5(%arg0: i32) -> (i32, i32) {
    %c0_i32 = arith.constant 0 : i32
    %c0_i32_0 = arith.constant 0 : i32
    %c0_i32_1 = arith.constant 0 : i32
    return %c0_i32, %c0_i32_0 : i32, i32
  }
  func.func @transform_6(%arg0: i32) -> (i32, i32) {
    %c0_i32 = arith.constant 0 : i32
    %c0_i32_0 = arith.constant 0 : i32
    %c0_i32_1 = arith.constant 0 : i32
    return %c0_i32, %c0_i32_0 : i32, i32
  }
  func.func @transform_7(%arg0: i32) -> (i32, i32) {
    %c0_i32 = arith.constant 0 : i32
    %c0_i32_0 = arith.constant 0 : i32
    %c0_i32_1 = arith.constant 0 : i32
    return %c0_i32, %c0_i32_0 : i32, i32
  }
  func.func @transform_8(%arg0: i32) -> (i32, i32) {
    %c0_i32 = arith.constant 0 : i32
    %c0_i32_0 = arith.constant 0 : i32
    return %arg0, %c0_i32 : i32, i32
  }
  func.func @transform_9(%arg0: i32) -> (i32, i32) {
    %c0_i32 = arith.constant 0 : i32
    %c0_i32_0 = arith.constant 0 : i32
    return %arg0, %c0_i32 : i32, i32
  }
  func.func @transform_10(%arg0: i32) -> (i32, i32) {
    %c0_i32 = arith.constant 0 : i32
    %c0_i32_0 = arith.constant 0 : i32
    %c0_i32_1 = arith.constant 0 : i32
    return %c0_i32, %c0_i32_0 : i32, i32
  }
  func.func @transform_11(%arg0: i32) -> (i32, i32) {
    %c0_i32 = arith.constant 0 : i32
    %c0_i32_0 = arith.constant 0 : i32
    %c0_i32_1 = arith.constant 0 : i32
    return %c0_i32, %c0_i32_0 : i32, i32
  }
  func.func @transform_12(%arg0: i32) -> (i32, i32) {
    %c0_i32 = arith.constant 0 : i32
    %c0_i32_0 = arith.constant 0 : i32
    %c0_i32_1 = arith.constant 0 : i32
    return %c0_i32, %c0_i32_0 : i32, i32
  }
}

module attributes {stable_mosaic.version = 14 : i64} {
  func.func @_fin_body(%arg0: i32, %arg1: memref<2000x1xf32, #tpu.memory_space<vmem>>, %arg2: memref<2000x1xi32, #tpu.memory_space<vmem>>, %arg3: memref<16x128xf32, #tpu.memory_space<vmem>>, %arg4: memref<16x128xf32, #tpu.memory_space<vmem>>, %arg5: memref<16x128xf32, #tpu.memory_space<vmem>>, %arg6: memref<128x128xf32, #tpu.memory_space<vmem>>, %arg7: memref<1x128xf32, #tpu.memory_space<vmem>>, %arg8: memref<128x1xf32, #tpu.memory_space<vmem>>, %arg9: memref<1x1xf32, #tpu.memory_space<vmem>>, %arg10: memref<128x1xf32, #tpu.memory_space<vmem>>, %arg11: memref<1x1xf32, #tpu.memory_space<vmem>>, %arg12: memref<2000x1xf32, #tpu.memory_space<vmem>>) attributes {dimension_semantics = [#tpu.dimension_semantics<arbitrary>], iteration_bounds = array<i64: 5>, scalar_prefetch = 0 : i64, scratch_operands = 0 : i64, tpu.core_type = #tpu.core_type<tc>, window_params = [{transform_indices = @transform_0, window_bounds = array<i64: 2000, 1>}, {transform_indices = @transform_1, window_bounds = array<i64: 2000, 1>}, {pipeline_mode = #tpu.pipeline_mode<synchronous>, transform_indices = @transform_2, window_bounds = array<i64: 16, 128>}, {pipeline_mode = #tpu.pipeline_mode<synchronous>, transform_indices = @transform_3, window_bounds = array<i64: 16, 128>}, {pipeline_mode = #tpu.pipeline_mode<synchronous>, transform_indices = @transform_4, window_bounds = array<i64: 16, 128>}, {pipeline_mode = #tpu.pipeline_mode<synchronous>, transform_indices = @transform_5, window_bounds = array<i64: 128, 128>}, {pipeline_mode = #tpu.pipeline_mode<synchronous>, transform_indices = @transform_6, window_bounds = array<i64: 1, 128>}, {pipeline_mode = #tpu.pipeline_mode<synchronous>, transform_indices = @transform_7, window_bounds = array<i64: 128, 1>}, {pipeline_mode = #tpu.pipeline_mode<synchronous>, transform_indices = @transform_8, window_bounds = array<i64: 1, 1>}, {pipeline_mode = #tpu.pipeline_mode<synchronous>, transform_indices = @transform_9, window_bounds = array<i64: 128, 1>}, {pipeline_mode = #tpu.pipeline_mode<synchronous>, transform_indices = @transform_10, window_bounds = array<i64: 1, 1>}, {transform_indices = @transform_11, window_bounds = array<i64: 2000, 1>}]} {
    %get3A = arith.constant 0 : index
    %get3A_0 = arith.constant 0 : index
    %get3A_1 = vector.load %arg5[%get3A, %get3A_0] : memref<16x128xf32, #tpu.memory_space<vmem>>, vector<16x128xf32>
    %max3A = arith.constant 1.000000e+00 : f32
    %max3A_2 = vector.broadcast %max3A : f32 to vector<16x128xf32>
    %max3A_3 = arith.maximumf %get3A_1, %max3A_2 : vector<16x128xf32>
    %get3A_4 = arith.constant 0 : index
    %get3A_5 = arith.constant 0 : index
    %get3A_6 = vector.load %arg3[%get3A_4, %get3A_5] : memref<16x128xf32, #tpu.memory_space<vmem>>, vector<16x128xf32>
    %div3A = arith.divf %get3A_6, %max3A_3 : vector<16x128xf32>
    %get3A_7 = arith.constant 0 : index
    %get3A_8 = arith.constant 0 : index
    %get3A_9 = vector.load %arg4[%get3A_7, %get3A_8] : memref<16x128xf32, #tpu.memory_space<vmem>>, vector<16x128xf32>
    %div3A_10 = arith.divf %get3A_9, %max3A_3 : vector<16x128xf32>
    %get3A_11 = arith.constant 0 : index
    %get3A_12 = arith.constant 0 : index
    %get3A_13 = vector.load %arg6[%get3A_11, %get3A_12] : memref<128x128xf32, #tpu.memory_space<vmem>>, vector<128x128xf32>
    %dot_general3A = arith.constant dense<0.000000e+00> : vector<16x128xf32>
    %dot_general3A_14 = tpu.matmul %div3A, %get3A_13, %dot_general3A {dimension_numbers = #tpu.dot_dimension_numbers<[1], [0], [0], [1], [0, 0, 1, 1], [], []>, transpose_lhs_hint = false} : vector<16x128xf32>, vector<128x128xf32>, vector<16x128xf32> -> vector<16x128xf32>
    %get3A_15 = arith.constant 0 : index
    %get3A_16 = arith.constant 0 : index
    %get3A_17 = vector.load %arg7[%get3A_15, %get3A_16] : memref<1x128xf32, #tpu.memory_space<vmem>>, vector<1x128xf32>
    %add3A = vector.broadcast %get3A_17 : vector<1x128xf32> to vector<16x128xf32>
    %add3A_18 = arith.addf %dot_general3A_14, %add3A : vector<16x128xf32>
    %max3A_19 = arith.constant 0.000000e+00 : f32
    %max3A_20 = vector.broadcast %max3A_19 : f32 to vector<16x128xf32>
    %max3A_21 = arith.maximumf %add3A_18, %max3A_20 : vector<16x128xf32>
    %get3A_22 = arith.constant 0 : index
    %get3A_23 = arith.constant 0 : index
    %get3A_24 = vector.load %arg8[%get3A_22, %get3A_23] : memref<128x1xf32, #tpu.memory_space<vmem>>, vector<128x1xf32>
    %dot_general3A_25 = arith.constant dense<0.000000e+00> : vector<16x1xf32>
    %dot_general3A_26 = tpu.matmul %max3A_21, %get3A_24, %dot_general3A_25 {dimension_numbers = #tpu.dot_dimension_numbers<[1], [0], [0], [1], [0, 0, 1, 1], [], []>, transpose_lhs_hint = false} : vector<16x128xf32>, vector<128x1xf32>, vector<16x1xf32> -> vector<16x1xf32>
    %get3A_27 = arith.constant 0 : index
    %get3A_28 = arith.constant 0 : index
    %get3A_29 = vector.load %arg9[%get3A_27, %get3A_28] : memref<1x1xf32, #tpu.memory_space<vmem>>, vector<1x1xf32>
    %add3A_30 = vector.broadcast %get3A_29 : vector<1x1xf32> to vector<16x1xf32>
    %add3A_31 = arith.addf %dot_general3A_26, %add3A_30 : vector<16x1xf32>
    %get3A_32 = arith.constant 0 : index
    %get3A_33 = arith.constant 0 : index
    %get3A_34 = vector.load %arg10[%get3A_32, %get3A_33] : memref<128x1xf32, #tpu.memory_space<vmem>>, vector<128x1xf32>
    %dot_general3A_35 = arith.constant dense<0.000000e+00> : vector<16x1xf32>
    %dot_general3A_36 = tpu.matmul %div3A_10, %get3A_34, %dot_general3A_35 {dimension_numbers = #tpu.dot_dimension_numbers<[1], [0], [0], [1], [0, 0, 1, 1], [], []>, transpose_lhs_hint = false} : vector<16x128xf32>, vector<128x1xf32>, vector<16x1xf32> -> vector<16x1xf32>
    %get3A_37 = arith.constant 0 : index
    %get3A_38 = arith.constant 0 : index
    %get3A_39 = vector.load %arg11[%get3A_37, %get3A_38] : memref<1x1xf32, #tpu.memory_space<vmem>>, vector<1x1xf32>
    %add3A_40 = vector.broadcast %get3A_39 : vector<1x1xf32> to vector<16x1xf32>
    %add3A_41 = arith.addf %dot_general3A_36, %add3A_40 : vector<16x1xf32>
    %sub3A = arith.subf %add3A_31, %add3A_41 : vector<16x1xf32>
    %get3A_42 = arith.constant 0 : index
    %get3A_43 = arith.constant 0 : index
    %get3A_44 = vector.load %arg2[%get3A_42, %get3A_43] : memref<2000x1xi32, #tpu.memory_space<vmem>>, vector<2000x1xi32>
    %iota3A = tpu.iota {dimensions = array<i32: 1>} : vector<2000x16xi32>
    %eq3A = vector.broadcast %get3A_44 : vector<2000x1xi32> to vector<2000x16xi32>
    %eq3A_45 = arith.cmpi eq, %eq3A, %iota3A : vector<2000x16xi32>
    %convert_element_type3A = arith.extui %eq3A_45 : vector<2000x16xi1> to vector<2000x16xi32>
    %convert_element_type3A_46 = arith.sitofp %convert_element_type3A : vector<2000x16xi32> to vector<2000x16xf32>
    %get3A_47 = arith.constant 0 : index
    %get3A_48 = arith.constant 0 : index
    %get3A_49 = vector.load %arg1[%get3A_47, %get3A_48] : memref<2000x1xf32, #tpu.memory_space<vmem>>, vector<2000x1xf32>
    %dot_general3A_50 = arith.constant dense<0.000000e+00> : vector<2000x1xf32>
    %dot_general3A_51 = tpu.matmul %convert_element_type3A_46, %sub3A, %dot_general3A_50 {dimension_numbers = #tpu.dot_dimension_numbers<[1], [0], [0], [1], [0, 0, 1, 1], [], []>, transpose_lhs_hint = false} : vector<2000x16xf32>, vector<16x1xf32>, vector<2000x1xf32> -> vector<2000x1xf32>
    %add3A_52 = arith.addf %get3A_49, %dot_general3A_51 : vector<2000x1xf32>
    %swap3A = arith.constant 0 : index
    %swap3A_53 = arith.constant 0 : index
    %swap3A_54 = vector.load %arg12[%swap3A, %swap3A_53] : memref<2000x1xf32, #tpu.memory_space<vmem>>, vector<2000x1xf32>
    tpu.vector_store %arg12[%swap3A, %swap3A_53], %add3A_52 {strides = array<i32>} : memref<2000x1xf32, #tpu.memory_space<vmem>>, vector<2000x1xf32>,
    return
  }
  func.func @transform_0(%arg0: i32) -> (i32, i32) {
    %c0_i32 = arith.constant 0 : i32
    %c0_i32_0 = arith.constant 0 : i32
    return %arg0, %c0_i32 : i32, i32
  }
  func.func @transform_1(%arg0: i32) -> (i32, i32) {
    %c0_i32 = arith.constant 0 : i32
    %c0_i32_0 = arith.constant 0 : i32
    return %arg0, %c0_i32 : i32, i32
  }
  func.func @transform_2(%arg0: i32) -> (i32, i32) {
    %c0_i32 = arith.constant 0 : i32
    %c0_i32_0 = arith.constant 0 : i32
    %c0_i32_1 = arith.constant 0 : i32
    return %c0_i32, %c0_i32_0 : i32, i32
  }
  func.func @transform_3(%arg0: i32) -> (i32, i32) {
    %c0_i32 = arith.constant 0 : i32
    %c0_i32_0 = arith.constant 0 : i32
    %c0_i32_1 = arith.constant 0 : i32
    return %c0_i32, %c0_i32_0 : i32, i32
  }
  func.func @transform_4(%arg0: i32) -> (i32, i32) {
    %c0_i32 = arith.constant 0 : i32
    %c0_i32_0 = arith.constant 0 : i32
    %c0_i32_1 = arith.constant 0 : i32
    return %c0_i32, %c0_i32_0 : i32, i32
  }
  func.func @transform_5(%arg0: i32) -> (i32, i32) {
    %c0_i32 = arith.constant 0 : i32
    %c0_i32_0 = arith.constant 0 : i32
    %c0_i32_1 = arith.constant 0 : i32
    return %c0_i32, %c0_i32_0 : i32, i32
  }
  func.func @transform_6(%arg0: i32) -> (i32, i32) {
    %c0_i32 = arith.constant 0 : i32
    %c0_i32_0 = arith.constant 0 : i32
    %c0_i32_1 = arith.constant 0 : i32
    return %c0_i32, %c0_i32_0 : i32, i32
  }
  func.func @transform_7(%arg0: i32) -> (i32, i32) {
    %c0_i32 = arith.constant 0 : i32
    %c0_i32_0 = arith.constant 0 : i32
    %c0_i32_1 = arith.constant 0 : i32
    return %c0_i32, %c0_i32_0 : i32, i32
  }
  func.func @transform_8(%arg0: i32) -> (i32, i32) {
    %c0_i32 = arith.constant 0 : i32
    %c0_i32_0 = arith.constant 0 : i32
    %c0_i32_1 = arith.constant 0 : i32
    return %c0_i32, %c0_i32_0 : i32, i32
  }
  func.func @transform_9(%arg0: i32) -> (i32, i32) {
    %c0_i32 = arith.constant 0 : i32
    %c0_i32_0 = arith.constant 0 : i32
    %c0_i32_1 = arith.constant 0 : i32
    return %c0_i32, %c0_i32_0 : i32, i32
  }
  func.func @transform_10(%arg0: i32) -> (i32, i32) {
    %c0_i32 = arith.constant 0 : i32
    %c0_i32_0 = arith.constant 0 : i32
    %c0_i32_1 = arith.constant 0 : i32
    return %c0_i32, %c0_i32_0 : i32, i32
  }
  func.func @transform_11(%arg0: i32) -> (i32, i32) {
    %c0_i32 = arith.constant 0 : i32
    %c0_i32_0 = arith.constant 0 : i32
    return %arg0, %c0_i32 : i32, i32
  }
}

</mosaic_0001>

<sc_bundles>
// kernel: kernel.10.cloned.1.call-start
scs
__scs_entry_jumppad:
0x0: {  	(pc) =	sbr.rel $0x88, $3  }
0x1: {  	(tag) =	ssettag $0x0;
	lr =	simm.s32 $0x1  }
0x2: {  	[smem:$0x3F8E] =	sst lr;
	_ =	strace $0xD0000000  }
0x3: {  	_ = 	snop  }
0x4: {  	_ = 	snop  }
0x5: {  	_ = 	snop  }
0x6: {  	_ = 	snop  }
0x7: {  	_ = 	snop  }
__scs_overlays_trampoline_lowered:
0x8: {  	[smem:$0x3F9D] =	sst s0  }
0x9: {  	[smem:$0x3F9E] =	sst s1  }
0xa: {  	[smem:$0x3F9F] =	sst s2  }
0xb: {  	[smem:$0x3FA0] =	sst s3  }
0xc: {  	[smem:$0x3FA1] =	sst s4  }
0xd: {  	[smem:$0x3FA2] =	sst s5  }
0xe: {  	[smem:$0x3FA3] =	sst s6  }
0xf: {  	[smem:$0x3FA4] =	sst s7  }
0x10: {  	[smem:$0x3FA5] =	sst s8  }
0x11: {  	[smem:$0x3FA6] =	sst s9;
	s0 =	simm.s32 @!p0 $0x0  }
0x12: {  	s1 =	sld [smem:$0x3F8C];
	s0 =	simm.s32 @p0 $0x1  }
0x13: {  	[smem:$0x3FA7] =	sst s0;
	s0 =	simm.s32 @!p1 $0x0  }
0x14: {  	s2 =	sld [smem:$0x3F8B];
	s0 =	simm.s32 @p1 $0x1  }
0x15: {  	[smem:$0x3FA8] =	sst s0;
	s0 =	simm.s32 @!p2 $0x0  }
0x16: {  	s3 =	sld [smem:$0x3FDB];
	s0 =	simm.s32 @p2 $0x1  }
0x17: {  	s4 =	simm.s32 $0x1BF5;
	[smem:$0x3FAA] =	sst s0  }
0x18: {  	s0 =	sld [smem:$0x3F8D];
	_ =	swait.ge [sflag:s4], $0x0  }
0x19: {  	s7 =	sld [smem:$0x3F8E]  }
0x1a: {  	s8 =	sadd.s32 $0xFFFFE003, lr  }
0x1b: {  	s9 =	sadd.s32 $0xFFFFFEF7, lr;
	s5 =	simm.s32 $0xFFFFFFFF;
	p2 =	slt.u32 s8, $0xFFFFF086  }
0x1c: {  	p1 =	slt.u32 s9, $0xF7A;
	s5 =	simm.s32 @!p2 $0x0  }
0x1d: {  	s5 =	simm.s32 @p1 $0x1;
	p0 =	seq.s32 s7, s2  }
0x1e: {  	s7 =	smul.u32 @!p0 $0xF7A, s2;
	p2 =	seq.s32 @!p0 s5, $0x0  }
0x1f: {  	s9 =	smul.u32 $0xF7A, s1;
	s8 =	simm.s32 @!p0 $0x1BF5;
	p2 =	por !p2, p0  }
0x20: {  	[sflag:s8] =	ssyncset.s32 @!p0 $0xFFFFF086;
	s6 =	sadd.s32 @!p0 s3, s7;
	s7 =	simm.s32 @!p0 $0x108  }
0x21: {  	s3 =	sadd.s32 s3, s9;
	s6 =	sadd.s32 @!p0 $0x88, s6;
	s7 =	simm.s32 @p2 $0x1082  }
0x22: {  	[simem:s7], [sflag:s8] =	dma.local @!p0 [hbm:s6], $0xF7A  }
0x23: {  	s9 =	sor.u32 $0xD0000000, s2;
	s6 =	simm.s32 $0x108;
	_ =	swait.ge @!p0 [sflag:s8], $0x0  }
0x24: {  	s3 =	sadd.s32 $0x88, s3;
	s6 =	simm.s32 @!p1 $0x1082;
	[sflag:s4] =	ssyncset.s32 $0xFFFFF086  }
0x25: {  	[simem:s6], [sflag:s4] =	dma.local [hbm:s3], $0xF7A  }
0x26: {  	[smem:$0x3F8E] =	sst s1;
	(tag) =	ssettag s2;
	_ =	strace s9  }
0x27: {  	s1 =	sld [smem:$0x3F9E]  }
0x28: {  	s2 =	sld [smem:$0x3F9F]  }
0x29: {  	s4 =	sld [smem:$0x3FA1]  }
0x2a: {  	p0 =	seq.s32 s5, $0x0;
	s5 =	sld [smem:$0x3FA2]  }
0x2b: {  	s6 =	sld [smem:$0x3FA3]  }
0x2c: {  	s7 =	sld [smem:$0x3FA4]  }
0x2d: {  	s3 =	simm.s32 $0x108;
	s8 =	sld [smem:$0x3FA5]  }
0x2e: {  	s3 =	simm.s32 @!p0 $0x1082;
	s9 =	sld [smem:$0x3FA6]  }
0x2f: {  	lr =	sadd.s32 s0, s3;
	s0 =	sld [smem:$0x3F9D]  }
0x30: {  	s3 =	sld [smem:$0x3FA0]  }
0x31: {  	[smem:$0x3FA9] =	sst s10  }
0x32: {  	s10 =	sld [smem:$0x3FA7];
	_ =	sdelay $0x3  }
0x33: {  	p0 =	seq.s32 s10, $0x1;
	s10 =	sld [smem:$0x3FA9];
	_ =	sdelay $0x3  }
0x34: {  	[smem:$0x3FA9] =	sst s10  }
0x35: {  	s10 =	sld [smem:$0x3FA8];
	_ =	sdelay $0x3  }
0x36: {  	p1 =	seq.s32 s10, $0x1;
	s10 =	sld [smem:$0x3FA9];
	_ =	sdelay $0x3  }
0x37: {  	[smem:$0x3FA9] =	sst s10  }
0x38: {  	s10 =	sld [smem:$0x3FAA]  }
0x39: {  	_ = 	snop;
	(pc) =	sbr.ind lr, $3  }
0x3a: {  	_ = 	snop  }
0x3b: {  	_ = 	snop  }
0x3c: {  	p2 =	seq.s32 s10, $0x1;
	s10 =	sld [smem:$0x3FA9]  }
0x3d: {  	_ =	shalt  }
0x3e: {  	_ =	shalt  }
0x3f: {  	_ =	shalt  }
0x40: {  	_ =	shalt  }
0x41: {  	_ =	shalt  }
0x42: {  	_ =	shalt  }
0x43: {  	_ =	shalt  }
0x44: {  	_ =	shalt  }
0x45: {  	_ =	shalt  }
0x46: {  	_ =	shalt  }
0x47: {  	_ =	shalt  }
0x48: {  	_ =	shalt  }
0x49: {  	_ =	shalt  }
0x4a: {  	_ =	shalt  }
0x4b: {  	_ =	shalt  }
0x4c: {  	_ =	shalt  }
0x4d: {  	_ =	shalt  }
0x4e: {  	_ =	shalt  }
0x4f: {  	_ =	shalt  }
0x50: {  	_ =	shalt  }
0x51: {  	_ =	shalt  }
0x52: {  	_ =	shalt  }
0x53: {  	_ =	shalt  }
0x54: {  	_ =	shalt  }
0x55: {  	_ =	shalt  }
0x56: {  	_ =	shalt  }
0x57: {  	_ =	shalt  }
0x58: {  	_ =	shalt  }
0x59: {  	_ =	shalt  }
0x5a: {  	_ =	shalt  }
0x5b: {  	_ =	shalt  }
0x5c: {  	_ =	shalt  }
0x5d: {  	_ =	shalt  }
0x5e: {  	_ =	shalt  }
0x5f: {  	_ =	shalt  }
0x60: {  	_ =	shalt  }
0x61: {  	_ =	shalt  }
0x62: {  	_ =	shalt  }
0x63: {  	_ =	shalt  }
0x64: {  	_ =	shalt  }
0x65: {  	_ =	shalt  }
0x66: {  	_ =	shalt  }
0x67: {  	_ =	shalt  }
0x68: {  	_ =	shalt  }
0x69: {  	_ =	shalt  }
0x6a: {  	_ =	shalt  }
0x6b: {  	_ =	shalt  }
0x6c: {  	_ =	shalt  }
0x6d: {  	_ =	shalt  }
0x6e: {  	_ =	shalt  }
0x6f: {  	_ =	shalt  }
0x70: {  	_ =	shalt  }
0x71: {  	_ =	shalt  }
0x72: {  	_ =	shalt  }
0x73: {  	_ =	shalt  }
0x74: {  	_ =	shalt  }
0x75: {  	_ =	shalt  }
0x76: {  	_ =	shalt  }
0x77: {  	_ =	shalt  }
0x78: {  	_ =	shalt  }
0x79: {  	_ =	shalt  }
0x7a: {  	_ =	shalt  }
0x7b: {  	_ =	shalt  }
0x7c: {  	_ =	shalt  }
0x7d: {  	_ =	shalt  }
0x7e: {  	_ =	shalt  }
0x7f: {  	_ =	shalt  }
0x80: {  	_ =	shalt  }
0x81: {  	_ =	shalt  }
0x82: {  	_ =	shalt  }
0x83: {  	_ =	shalt  }
0x84: {  	_ =	shalt  }
0x85: {  	_ =	shalt  }
0x86: {  	_ =	shalt  }
0x87: {  	_ =	shalt  }
.Lfunc_end0:
.L_simem_size_0:
called_computation_lowered:
.L_overlay_start_0:
0x88: {  	s2 =	sld [smem:$0x3FD9]  }
0x89: {  	s3 =	sld [smem:$0x3FFE];
	_ =	sdelay $0x1  }
0x8a: {  	s1 =	srdreg.scid  }
0x8b: {  	s0 =	sand.u32 $0x1, s1  }
0x8c: {  	s16 =	sshll.u32 s0, $0xA;
	s2 =	sadd.s32 s3, s2  }
0x8d: {  	s2 =	sadd.s32 s2, s16  }
0x8e: {  	[smem:$0x3FB5] =	sst s2  }
0x8f: {  	_ = 	snop  }
0x90: {  	(tm) =	ssettm $0x1  }
0x91: {  	s17 =	sld [smem:$0x3FFB];
	_ =	sdelay $0x3  }
0x92: {  	_ =	strace s17  }
0x93: {  	s2 =	sld [smem:$0x3FFC];
	_ =	sdelay $0x3  }
0x94: {  	_ =	strace s2  }
0x95: {  	s2 =	sld [smem:$0x3FFD];
	_ =	sdelay $0x3  }
0x96: {  	_ =	strace s2  }
0x97: {  	_ =	strace $0x8FFFFFFF  }
0x98: {  	s18 =	sld [smem:$0x3FDB];
	_ =	sdelay $0x1  }
0x99: {  	s19 =	simm.s32 $_scs_section_size  }
0x9a: {  	s4 =	simm.s32 $_size__tile_overlayer_lowered;
	s5 =	simm.s32 $_tile_overlayer_lowered  }
0x9b: {  	s22 =	simm.s32 $0x1BFF;
	s21 =	sshll.u32 s5, $0x1;
	s2 =	sadd.s32 s19, s18  }
0x9c: {  	s6 =	simm.s32 $0x0;
	s20 =	sshll.u32 s4, $0x1;
	s4 =	sadd.s32 s21, s2  }
0x9d: {  	[timem:s6], [sflag:s22] =	dma.local [hbm:s4], s20  }
0x9e: {  	_ =	swait.ge [sflag:s22], s20  }
0x9f: {  	s3 =	ssub.s32 $0x0, s20;
	[sflag:s22] =	ssyncset.done $0x0  }
0xa0: {  	[sflag:s22] =	ssyncadd.s32 s3;
	_ =	sdelay $0x1  }
0xa1: {  	s23 =	simm.s32 $0x1B8B  }
0xa2: {  	_ =	swait.ge [sflag:s23], $0x1  }
0xa3: {  	[sflag:s23] =	ssyncset.done $0x0  }
0xa4: {  	s25 =	simm.s32 $0x1B8E;
	s24 =	sld [smem:$0x3FFE];
	[sflag:s23] =	ssyncadd.s32 $0xFFFFFFFF  }
0xa5: {  	s26 =	simm.s32 $execute0_lowered;
	[smem:$0x3FD2] =	sst s25  }
0xa6: {  	s4 =	sshll.u32 s26, $0x1;
	_ =	strace $0x80000046;
	[dreg:$0x1] =	wrdreg $0xFFFFFFFF  }
0xa7: {  	s28 =	simm.s32 $_size_execute0_lowered;
	s2 =	sadd.s32 s2, s4;
	[dreg:$0x0] =	wrdreg $0x0  }
0xa8: {  	s4 =	sshll.u32 s28, $0x1;
	[dreg:$0x2] =	wrdreg s2  }
0xa9: {  	[dreg:$0x3] =	wrdreg s4  }
0xaa: {  	[dreg:$0x4] =	wrdreg $0xC0  }
0xab: {  	_ =	task [dreg:s6], $0x5FFFF  }
0xac: {  	[dreg:$0x1] =	wrdreg $0xFFFFFFFF  }
0xad: {  	[dreg:$0x0] =	wrdreg $0x60  }
0xae: {  	[dreg:$0x2] =	wrdreg s24  }
0xaf: {  	[dreg:$0x3] =	wrdreg $0x9  }
0xb0: {  	_ =	task.clear_ibuf [dreg:s6], $0x4FFFF;
	_ =	strace $0x90000046  }
0xb1: {  	s29 =	simm.s32 $0x9;
	_ =	strace $0x80000048  }
0xb2: {  	_ =	swait.ge [sflag:s29], $0x1  }
0xb3: {  	[sflag:s29] =	ssyncadd.s32 $0xFFFFFFFF  }
0xb4: {  	_ =	strace $0x90000048  }
0xb5: {  	_ =	sfence  }
0xb6: {  	s30 =	sld [smem:$0x0];
	_ =	sdelay $0x2  }
0xb7: {  	s31 =	sshll.u32 s1, $0xD;
	s1 =	sshrl.u32 s1, $0x2  }
0xb8: {  	s3 =	sand.u32 $0x4000, s31;
	s1 =	sadd.s32 s1, s30  }
0xb9: {  	s0 =	sor.u32 s3, s0;
	s1 =	sshll.u32 s1, $0x11  }
0xba: {  	s0 =	sor.u32 s1, s0  }
0xbb: {  	s0 =	sadd.s32 $0x8F2B, s0  }
0xbc: {  	[sflag:s0] =	ssyncadd.remote.s32 $0x1  }
0xbd: {  	_ =	sfence.sel $0xFFFF  }
0xbe: {  	[dreg:$0x0] =	wrdreg $0xFFFFFFFF;
	(pc) =	sbr.abs _section_cstart, $3  }
0xbf: {  	[dreg:$0x1] =	wrdreg $0xFFFFFFFF  }
0xc0: {  	_ =	task.clear_ibuf [dreg:s6], $0x2FFFF;
	_ =	strace $0x9FFFFFFF  }
0xc1: {  	(tm) =	ssettm $0x7FFFFFFF  }
tec
execute0_lowered:
.L_overlay_start_1:
0x0: {  	(tag) =	ssettag $0x1  }
0x1: {  	s1 =	srdreg.scid  }
0x2: {  	s0 =	stileid.u32;
	s5 =	rddreg [dreg:$0x0]  }
0x3: {  	s2 =	simm.s32 $0x0;
	s8 =	simm.s32 $0x80;
	s9 =	simm.s32 $0x400  }
0x4: {  	s10 =	simm.s32 $0x0;
	s3 =	sand.u32 $0x1, s1;
	s29 =	sshll.u32 s0, $0x1  }
0x5: {  	s30 =	sshrl.u32 s0, $0x2;
	s1 =	rddreg [dreg:$0x1];
	s4 =	sor.u32 s3, s29  }
0x6: {  	[smem:$0x7FF] =	sst s2;
	s6 =	smul.u32 $0x14000, s30;
	s7 =	sshll.u32 s4, $0x7  }
0x7: {  	s3 =	ssub.s32 $0x2, s3;
	s4 =	smul.u32 $0x500, s4;
	s7 =	sand.u32 $0x380, s7  }
0x8: {  	_ =	strace $0x80000047;
	s31 =	sshrl.u32 s3, $0x1;
	s6 =	sor.u32 s6, s7  }
0x9: {  	s4 =	sadd.s32 s4, s5;
	s7 =	simm.s32 $0x2800;
	s6 =	sshrl.u32 s6, $0x3  }
0xa: {  	s5 =	sadd.s32 s6, s5;
	s6 =	ssub.s32 s3, s31;
	s3 =	sadd.s32 $0x3600, s4  }
0xb: {  	v0 =	vimm.f32 $0.0e+00;
	v1 =	vimm.f32 $1.000000000e+00;
	s4 =	sadd.s32 $0xD600, s5;
	s5 =	smax.u32 s6, $0x1;
	s6 =	simm.s32 $0x1  }
.LBB2_1:
0xc: {  	[tilespmem:s2], [sflag:$0x1] =	stream.linear.gather [hbm4b:s3+s2], $0x2800, $0x38;
	[tilespmem:$0x5000] =	vst v63  }
0xd: {  	_ =	swait.ge [sflag:s6], $0x2800  }
0xe: {  	[sflag:s6] =	ssyncset.done $0x0  }
0xf: {  	s11 =	simm.s32 $0x0;
	[sflag:s6] =	ssyncadd.s32 $0xFFFFD800  }
.LBB2_2:
0x10: {  	p0 =	sne.s32 s11, $0x9FC0  }
.Ltmp0:
0x11: {  	_ = 	snop;
	(pc) =	sbr.rel @p0 .LBB2_2-.Ltmp0, $3  }
0x12: {  	_ =	sdelay $0x1  }
0x13: {  	s12 =	sshra.s32 s11, $0x2  }
0x14: {  	s11 =	sadd.s32 $0x40, s11;
	[tilespmem:s12+$0x2800] =	vst v0  }
0x15: {  	s11 =	simm.s32 $0x0  }
.LBB2_4:
0x16: {  	s12 =	sshra.s32 s11, $0x2  }
0x17: {  	v2 =	vld [tilespmem:s12+$0x0];
	_ =	sdelay $0x7  }
0x18: {  	[tilespmem:v2+s7+$0x0] =	vst.idx.add.f32.msk $0xffff, v1  }
0x19: {  	v2 =	vld [tilespmem:s12+$0x10];
	_ =	sdelay $0x7  }
0x1a: {  	[tilespmem:v2+s7+$0x0] =	vst.idx.add.f32.msk $0xffff, v1  }
0x1b: {  	v2 =	vld [tilespmem:s12+$0x20];
	_ =	sdelay $0x7  }
0x1c: {  	[tilespmem:v2+s7+$0x0] =	vst.idx.add.f32.msk $0xffff, v1  }
0x1d: {  	v2 =	vld [tilespmem:s12+$0x30];
	_ =	sdelay $0x7  }
0x1e: {  	[tilespmem:v2+s7+$0x0] =	vst.idx.add.f32.msk $0xffff, v1  }
0x1f: {  	v2 =	vld [tilespmem:s12+$0x40];
	_ =	sdelay $0x7  }
0x20: {  	[tilespmem:v2+s7+$0x0] =	vst.idx.add.f32.msk $0xffff, v1  }
0x21: {  	v2 =	vld [tilespmem:s12+$0x50];
	_ =	sdelay $0x7  }
0x22: {  	[tilespmem:v2+s7+$0x0] =	vst.idx.add.f32.msk $0xffff, v1  }
0x23: {  	v2 =	vld [tilespmem:s12+$0x60];
	_ =	sdelay $0x7  }
0x24: {  	[tilespmem:v2+s7+$0x0] =	vst.idx.add.f32.msk $0xffff, v1  }
0x25: {  	v2 =	vld [tilespmem:s12+$0x70];
	_ =	sdelay $0x2  }
0x26: {  	p0 =	sne.s32 s11, $0x9E00  }
.Ltmp1:
0x27: {  	_ = 	snop;
	(pc) =	sbr.rel @p0 .LBB2_4-.Ltmp1, $2  }
0x28: {  	_ =	sdelay $0x2  }
0x29: {  	s11 =	sadd.s32 $0x200, s11;
	[tilespmem:v2+s7+$0x0] =	vst.idx.add.f32.msk $0xffff, v1  }
0x2a: {  	s10 =	sadd.s32 $0x1, s10  }
0x2b: {  	p0 =	sne.s32 s10, s5  }
.Ltmp2:
0x2c: {  	_ = 	snop;
	(pc) =	sbr.rel @p0 .LBB2_1-.Ltmp2, $4  }
0x2d: {  	[hbm4b:s4+s8] =	stream.strided.scatter [tilespmem:s7], [sflag:$0x1], $0x2800, s9, s8, $0x38;
	[tilespmem:$0x5000] =	vst v63  }
0x2e: {  	_ =	swait.ge [sflag:s6], $0x2800  }
0x2f: {  	[sflag:s6] =	ssyncset.done $0x0  }
0x30: {  	[sflag:s6] =	ssyncadd.s32 $0xFFFFD800  }
0x31: {  	_ =	sfence.sel $0x180000  }
0x32: {  	[bflag:$0x0] =	sbarrier.arrive $0xFFFF  }
0x33: {  	p0 =	sne.s32 s0, $0x0;
	_ =	strace $0x90000047  }
0x34: {  	s0 =	sadd.s32 @!p0 $0x100000, s1;
	[bflag:$0x2] =	sbarrier.arrive $0xFFFF  }
0x35: {  	[sflag:s0] =	ssyncadd.tile.s32 @!p0 $0x1;
	_ =	shalt  }
.Lfunc_end2:
_tile_overlayer_lowered:
.L_overlay_start_2:
0x36: {  	(tag) =	ssettag $0x2  }
0x37: {  	s0 =	rddreg [dreg:$0x0];
	s2 =	stileid.u32  }
0x38: {  	s1 =	rddreg [dreg:$0x1];
	p0 =	sne.s32 s2, $0x0  }
0x39: {  	s3 =	rddreg [dreg:$0x2];
	[bflag:$0x3] =	sbarrier.arrive $0xFFFF;
	s2 =	simm.s32 @!p0 $0x1C01  }
0x3a: {  	[timem:s3], [sflag:s2] =	dma.local @!p0 [hbm:s0], s1  }
0x3b: {  	s0 =	simm.s32 @!p0 $0x1  }
0x3c: {  	_ =	swait.ge @!p0 [sflag:s0], s1  }
0x3d: {  	s1 =	ssub.s32 @!p0 $0x0, s1;
	[sflag:s0] =	ssyncset.done @!p0 $0x0  }
0x3e: {  	[sflag:s0] =	ssyncadd.s32 @!p0 s1  }
0x3f: {  	[bflag:$0x3] =	sbarrier.arrive $0xFFFF  }
0x40: {  	_ =	shalt  }

// kernel: kernel.13.cloned.1.call-start
scs
__scs_entry_jumppad:
0x0: {  	(pc) =	sbr.rel $0x88, $3  }
0x1: {  	(tag) =	ssettag $0x0;
	lr =	simm.s32 $0x1  }
0x2: {  	[smem:$0x3F8E] =	sst lr;
	_ =	strace $0xD0000000  }
0x3: {  	_ = 	snop  }
0x4: {  	_ = 	snop  }
0x5: {  	_ = 	snop  }
0x6: {  	_ = 	snop  }
0x7: {  	_ = 	snop  }
__scs_overlays_trampoline_lowered:
0x8: {  	[smem:$0x3F9D] =	sst s0  }
0x9: {  	[smem:$0x3F9E] =	sst s1  }
0xa: {  	[smem:$0x3F9F] =	sst s2  }
0xb: {  	[smem:$0x3FA0] =	sst s3  }
0xc: {  	[smem:$0x3FA1] =	sst s4  }
0xd: {  	[smem:$0x3FA2] =	sst s5  }
0xe: {  	[smem:$0x3FA3] =	sst s6  }
0xf: {  	[smem:$0x3FA4] =	sst s7  }
0x10: {  	[smem:$0x3FA5] =	sst s8  }
0x11: {  	[smem:$0x3FA6] =	sst s9;
	s0 =	simm.s32 @!p0 $0x0  }
0x12: {  	s1 =	sld [smem:$0x3F8C];
	s0 =	simm.s32 @p0 $0x1  }
0x13: {  	[smem:$0x3FA7] =	sst s0;
	s0 =	simm.s32 @!p1 $0x0  }
0x14: {  	s2 =	sld [smem:$0x3F8B];
	s0 =	simm.s32 @p1 $0x1  }
0x15: {  	[smem:$0x3FA8] =	sst s0;
	s0 =	simm.s32 @!p2 $0x0  }
0x16: {  	s3 =	sld [smem:$0x3FDB];
	s0 =	simm.s32 @p2 $0x1  }
0x17: {  	s4 =	simm.s32 $0x1BF5;
	[smem:$0x3FAA] =	sst s0  }
0x18: {  	s0 =	sld [smem:$0x3F8D];
	_ =	swait.ge [sflag:s4], $0x0  }
0x19: {  	s7 =	sld [smem:$0x3F8E]  }
0x1a: {  	s8 =	sadd.s32 $0xFFFFE003, lr  }
0x1b: {  	s9 =	sadd.s32 $0xFFFFFEF7, lr;
	s5 =	simm.s32 $0xFFFFFFFF;
	p2 =	slt.u32 s8, $0xFFFFF086  }
0x1c: {  	p1 =	slt.u32 s9, $0xF7A;
	s5 =	simm.s32 @!p2 $0x0  }
0x1d: {  	s5 =	simm.s32 @p1 $0x1;
	p0 =	seq.s32 s7, s2  }
0x1e: {  	s7 =	smul.u32 @!p0 $0xF7A, s2;
	p2 =	seq.s32 @!p0 s5, $0x0  }
0x1f: {  	s9 =	smul.u32 $0xF7A, s1;
	s8 =	simm.s32 @!p0 $0x1BF5;
	p2 =	por !p2, p0  }
0x20: {  	[sflag:s8] =	ssyncset.s32 @!p0 $0xFFFFF086;
	s6 =	sadd.s32 @!p0 s3, s7;
	s7 =	simm.s32 @!p0 $0x108  }
0x21: {  	s3 =	sadd.s32 s3, s9;
	s6 =	sadd.s32 @!p0 $0x88, s6;
	s7 =	simm.s32 @p2 $0x1082  }
0x22: {  	[simem:s7], [sflag:s8] =	dma.local @!p0 [hbm:s6], $0xF7A  }
0x23: {  	s9 =	sor.u32 $0xD0000000, s2;
	s6 =	simm.s32 $0x108;
	_ =	swait.ge @!p0 [sflag:s8], $0x0  }
0x24: {  	s3 =	sadd.s32 $0x88, s3;
	s6 =	simm.s32 @!p1 $0x1082;
	[sflag:s4] =	ssyncset.s32 $0xFFFFF086  }
0x25: {  	[simem:s6], [sflag:s4] =	dma.local [hbm:s3], $0xF7A  }
0x26: {  	[smem:$0x3F8E] =	sst s1;
	(tag) =	ssettag s2;
	_ =	strace s9  }
0x27: {  	s1 =	sld [smem:$0x3F9E]  }
0x28: {  	s2 =	sld [smem:$0x3F9F]  }
0x29: {  	s4 =	sld [smem:$0x3FA1]  }
0x2a: {  	p0 =	seq.s32 s5, $0x0;
	s5 =	sld [smem:$0x3FA2]  }
0x2b: {  	s6 =	sld [smem:$0x3FA3]  }
0x2c: {  	s7 =	sld [smem:$0x3FA4]  }
0x2d: {  	s3 =	simm.s32 $0x108;
	s8 =	sld [smem:$0x3FA5]  }
0x2e: {  	s3 =	simm.s32 @!p0 $0x1082;
	s9 =	sld [smem:$0x3FA6]  }
0x2f: {  	lr =	sadd.s32 s0, s3;
	s0 =	sld [smem:$0x3F9D]  }
0x30: {  	s3 =	sld [smem:$0x3FA0]  }
0x31: {  	[smem:$0x3FA9] =	sst s10  }
0x32: {  	s10 =	sld [smem:$0x3FA7];
	_ =	sdelay $0x3  }
0x33: {  	p0 =	seq.s32 s10, $0x1;
	s10 =	sld [smem:$0x3FA9];
	_ =	sdelay $0x3  }
0x34: {  	[smem:$0x3FA9] =	sst s10  }
0x35: {  	s10 =	sld [smem:$0x3FA8];
	_ =	sdelay $0x3  }
0x36: {  	p1 =	seq.s32 s10, $0x1;
	s10 =	sld [smem:$0x3FA9];
	_ =	sdelay $0x3  }
0x37: {  	[smem:$0x3FA9] =	sst s10  }
0x38: {  	s10 =	sld [smem:$0x3FAA]  }
0x39: {  	_ = 	snop;
	(pc) =	sbr.ind lr, $3  }
0x3a: {  	_ = 	snop  }
0x3b: {  	_ = 	snop  }
0x3c: {  	p2 =	seq.s32 s10, $0x1;
	s10 =	sld [smem:$0x3FA9]  }
0x3d: {  	_ =	shalt  }
0x3e: {  	_ =	shalt  }
0x3f: {  	_ =	shalt  }
0x40: {  	_ =	shalt  }
0x41: {  	_ =	shalt  }
0x42: {  	_ =	shalt  }
0x43: {  	_ =	shalt  }
0x44: {  	_ =	shalt  }
0x45: {  	_ =	shalt  }
0x46: {  	_ =	shalt  }
0x47: {  	_ =	shalt  }
0x48: {  	_ =	shalt  }
0x49: {  	_ =	shalt  }
0x4a: {  	_ =	shalt  }
0x4b: {  	_ =	shalt  }
0x4c: {  	_ =	shalt  }
0x4d: {  	_ =	shalt  }
0x4e: {  	_ =	shalt  }
0x4f: {  	_ =	shalt  }
0x50: {  	_ =	shalt  }
0x51: {  	_ =	shalt  }
0x52: {  	_ =	shalt  }
0x53: {  	_ =	shalt  }
0x54: {  	_ =	shalt  }
0x55: {  	_ =	shalt  }
0x56: {  	_ =	shalt  }
0x57: {  	_ =	shalt  }
0x58: {  	_ =	shalt  }
0x59: {  	_ =	shalt  }
0x5a: {  	_ =	shalt  }
0x5b: {  	_ =	shalt  }
0x5c: {  	_ =	shalt  }
0x5d: {  	_ =	shalt  }
0x5e: {  	_ =	shalt  }
0x5f: {  	_ =	shalt  }
0x60: {  	_ =	shalt  }
0x61: {  	_ =	shalt  }
0x62: {  	_ =	shalt  }
0x63: {  	_ =	shalt  }
0x64: {  	_ =	shalt  }
0x65: {  	_ =	shalt  }
0x66: {  	_ =	shalt  }
0x67: {  	_ =	shalt  }
0x68: {  	_ =	shalt  }
0x69: {  	_ =	shalt  }
0x6a: {  	_ =	shalt  }
0x6b: {  	_ =	shalt  }
0x6c: {  	_ =	shalt  }
0x6d: {  	_ =	shalt  }
0x6e: {  	_ =	shalt  }
0x6f: {  	_ =	shalt  }
0x70: {  	_ =	shalt  }
0x71: {  	_ =	shalt  }
0x72: {  	_ =	shalt  }
0x73: {  	_ =	shalt  }
0x74: {  	_ =	shalt  }
0x75: {  	_ =	shalt  }
0x76: {  	_ =	shalt  }
0x77: {  	_ =	shalt  }
0x78: {  	_ =	shalt  }
0x79: {  	_ =	shalt  }
0x7a: {  	_ =	shalt  }
0x7b: {  	_ =	shalt  }
0x7c: {  	_ =	shalt  }
0x7d: {  	_ =	shalt  }
0x7e: {  	_ =	shalt  }
0x7f: {  	_ =	shalt  }
0x80: {  	_ =	shalt  }
0x81: {  	_ =	shalt  }
0x82: {  	_ =	shalt  }
0x83: {  	_ =	shalt  }
0x84: {  	_ =	shalt  }
0x85: {  	_ =	shalt  }
0x86: {  	_ =	shalt  }
0x87: {  	_ =	shalt  }
.Lfunc_end0:
.L_simem_size_0:
called_computation.1_lowered:
.L_overlay_start_0:
0x88: {  	s2 =	sld [smem:$0x3FD9]  }
0x89: {  	s3 =	sld [smem:$0x3FFE];
	_ =	sdelay $0x1  }
0x8a: {  	s1 =	srdreg.scid  }
0x8b: {  	s0 =	sand.u32 $0x1, s1  }
0x8c: {  	s16 =	sshll.u32 s0, $0xA;
	s2 =	sadd.s32 s3, s2  }
0x8d: {  	s2 =	sadd.s32 s2, s16  }
0x8e: {  	[smem:$0x3FB5] =	sst s2  }
0x8f: {  	_ = 	snop  }
0x90: {  	(tm) =	ssettm $0x1  }
0x91: {  	s17 =	sld [smem:$0x3FFB];
	_ =	sdelay $0x3  }
0x92: {  	_ =	strace s17  }
0x93: {  	s2 =	sld [smem:$0x3FFC];
	_ =	sdelay $0x3  }
0x94: {  	_ =	strace s2  }
0x95: {  	s2 =	sld [smem:$0x3FFD];
	_ =	sdelay $0x3  }
0x96: {  	_ =	strace s2  }
0x97: {  	_ =	strace $0x8FFFFFFF  }
0x98: {  	s18 =	sld [smem:$0x3FDB];
	_ =	sdelay $0x1  }
0x99: {  	s19 =	simm.s32 $_scs_section_size  }
0x9a: {  	s4 =	simm.s32 $_size__tile_overlayer_lowered;
	s5 =	simm.s32 $_tile_overlayer_lowered  }
0x9b: {  	s22 =	simm.s32 $0x1BFF;
	s21 =	sshll.u32 s5, $0x1;
	s2 =	sadd.s32 s19, s18  }
0x9c: {  	s6 =	simm.s32 $0x0;
	s20 =	sshll.u32 s4, $0x1;
	s4 =	sadd.s32 s21, s2  }
0x9d: {  	[timem:s6], [sflag:s22] =	dma.local [hbm:s4], s20  }
0x9e: {  	_ =	swait.ge [sflag:s22], s20  }
0x9f: {  	s3 =	ssub.s32 $0x0, s20;
	[sflag:s22] =	ssyncset.done $0x0  }
0xa0: {  	[sflag:s22] =	ssyncadd.s32 s3;
	_ =	sdelay $0x1  }
0xa1: {  	s23 =	simm.s32 $0x1B8B  }
0xa2: {  	_ =	swait.ge [sflag:s23], $0x1  }
0xa3: {  	[sflag:s23] =	ssyncset.done $0x0  }
0xa4: {  	s25 =	simm.s32 $0x1B8E;
	s24 =	sld [smem:$0x3FFE];
	[sflag:s23] =	ssyncadd.s32 $0xFFFFFFFF  }
0xa5: {  	s26 =	simm.s32 $execute0_lowered;
	[smem:$0x3FD2] =	sst s25  }
0xa6: {  	s4 =	sshll.u32 s26, $0x1;
	_ =	strace $0x80000049;
	[dreg:$0x1] =	wrdreg $0xFFFFFFFF  }
0xa7: {  	s28 =	simm.s32 $_size_execute0_lowered;
	s2 =	sadd.s32 s2, s4;
	[dreg:$0x0] =	wrdreg $0x0  }
0xa8: {  	s4 =	sshll.u32 s28, $0x1;
	[dreg:$0x2] =	wrdreg s2  }
0xa9: {  	[dreg:$0x3] =	wrdreg s4  }
0xaa: {  	[dreg:$0x4] =	wrdreg $0xC0  }
0xab: {  	_ =	task [dreg:s6], $0x5FFFF  }
0xac: {  	[dreg:$0x1] =	wrdreg $0xFFFFFFFF  }
0xad: {  	[dreg:$0x0] =	wrdreg $0x60  }
0xae: {  	[dreg:$0x2] =	wrdreg s24  }
0xaf: {  	[dreg:$0x3] =	wrdreg $0x82000  }
0xb0: {  	[dreg:$0x4] =	wrdreg $0x9  }
0xb1: {  	_ =	task.clear_ibuf [dreg:s6], $0x5FFFF;
	_ =	strace $0x90000049  }
0xb2: {  	s29 =	simm.s32 $0x9;
	_ =	strace $0x8000004B  }
0xb3: {  	_ =	swait.ge [sflag:s29], $0x1  }
0xb4: {  	[sflag:s29] =	ssyncadd.s32 $0xFFFFFFFF  }
0xb5: {  	_ =	strace $0x9000004B  }
0xb6: {  	_ =	sfence  }
0xb7: {  	s30 =	sld [smem:$0x0];
	_ =	sdelay $0x2  }
0xb8: {  	s31 =	sshll.u32 s1, $0xD;
	s1 =	sshrl.u32 s1, $0x2  }
0xb9: {  	s3 =	sand.u32 $0x4000, s31;
	s1 =	sadd.s32 s1, s30  }
0xba: {  	s0 =	sor.u32 s3, s0;
	s1 =	sshll.u32 s1, $0x11  }
0xbb: {  	s0 =	sor.u32 s1, s0  }
0xbc: {  	s0 =	sadd.s32 $0x8F2B, s0  }
0xbd: {  	[sflag:s0] =	ssyncadd.remote.s32 $0x1  }
0xbe: {  	_ =	sfence.sel $0xFFFF  }
0xbf: {  	[dreg:$0x0] =	wrdreg $0xFFFFFFFF;
	(pc) =	sbr.abs _section_cstart, $3  }
0xc0: {  	[dreg:$0x1] =	wrdreg $0xFFFFFFFF  }
0xc1: {  	_ =	task.clear_ibuf [dreg:s6], $0x2FFFF;
	_ =	strace $0x9FFFFFFF  }
0xc2: {  	(tm) =	ssettm $0x7FFFFFFF  }
0xc3: {  	_ =	shalt  }
tec
execute0_lowered:
.L_overlay_start_1:
0x0: {  	(tag) =	ssettag $0x1  }
0x1: {  	s0 =	rddreg [dreg:$0x0]  }
0x2: {  	s2 =	rddreg [dreg:$0x1]  }
0x3: {  	s3 =	simm.s32 $0x0;
	s1 =	stileid.u32;
	s4 =	srdreg.scid  }
0x4: {  	s17 =	simm.s32 $0x5;
	s18 =	simm.s32 $0x100;
	s19 =	simm.s32 $0x80  }
0x5: {  	s20 =	simm.s32 $0x200;
	s21 =	simm.s32 $0x4;
	s22 =	simm.s32 $0x4200  }
0x6: {  	s23 =	simm.s32 $0x1;
	s28 =	simm.s32 $0x0;
	[smem:$0x7FF] =	sst s3  }
0x7: {  	s7 =	smul.u32 $0x14000, s1;
	s8 =	sand.u32 $0x1, s4;
	s4 =	sadd.s32 $0x17600, s0  }
0x8: {  	s5 =	sadd.s32 $0x3600, s0;
	s6 =	sadd.s32 $0x21600, s0;
	s24 =	sshll.u32 s1, $0x1  }
0x9: {  	s12 =	smul.u32 $0x50000, s1;
	s29 =	sshll.u32 s1, $0x6;
	_ =	strace $0x8000004A  }
0xa: {  	s9 =	smul.u32 $0x140000, s8;
	s11 =	ssub.s32 $0x2, s8;
	s8 =	sor.u32 s8, s24  }
0xb: {  	s24 =	simm.s32 $0x3;
	s10 =	sshrl.u32 s7, $0x3;
	s13 =	sshrl.u32 s11, $0x1  }
0xc: {  	s26 =	sshrl.u32 s12, $0x2;
	s10 =	sadd.s32 s10, s0;
	s7 =	sadd.s32 s7, s9  }
0xd: {  	s15 =	ssub.s32 s11, s13;
	s16 =	sadd.s32 s26, s2;
	s9 =	sor.u32 $0x1C05, s29  }
0xe: {  	s26 =	simm.s32 $0x180;
	s25 =	sshrl.u32 s7, $0x3;
	s7 =	smul.u32 $0x2800, s8  }
0xf: {  	s8 =	sadd.s32 $0x48800, s10;
	s15 =	smax.u32 s15, $0x1;
	s16 =	sshrl.u32 s16, $0x3  }
0x10: {  	s0 =	sadd.s32 s25, s0;
	s25 =	simm.s32 $0x2;
	s30 =	sshrl.u32 s7, $0x3  }
0x11: {  	s14 =	sadd.s32 $0x70800, s0;
	s31 =	sor.u32 $0x10, s30;
	s10 =	sadd.s32 s4, s30  }
0x12: {  	s11 =	sadd.s32 s5, s30;
	s12 =	sadd.s32 s4, s31;
	s13 =	sadd.s32 s5, s31  }
.LBB2_1:
0x13: {  	[spmem:s16], [sflag:s9] =	dma.local [hbm:s8], $0x2800  }
0x14: {  	_ =	swait.ge [sflag:s17], $0x2800  }
0x15: {  	[sflag:s17] =	ssyncset.done $0x0  }
0x16: {  	[sflag:s17] =	ssyncadd.s32 $0xFFFFD800  }
0x17: {  	[bflag:$0x0] =	sbarrier.arrive $0xFFFF  }
0x18: {  	[tilespmem:s3], [sflag:$0x5] =	stream.linear.gather [hbm4b:s10+s3], $0x80, $0x38;
	[tilespmem:$0x1C200] =	vst v63  }
0x19: {  	_ =	swait.ge [sflag:s17], $0x80  }
0x1a: {  	[sflag:s17] =	ssyncset.done $0x0  }
0x1b: {  	[sflag:s17] =	ssyncadd.s32 $0xFFFFFF80  }
0x1c: {  	[tilespmem:s18], [sflag:$0x5] =	stream.linear.gather [hbm4b:s11+s3], $0x80, $0x38;
	[tilespmem:$0x1C200] =	vst v63  }
0x1d: {  	_ =	swait.ge [sflag:s17], $0x80  }
0x1e: {  	[sflag:s17] =	ssyncset.done $0x0  }
0x1f: {  	[sflag:s17] =	ssyncadd.s32 $0xFFFFFF80  }
0x20: {  	[tilespmem:s20], [sflag:$0x1] =	stream.indirect.gather [hbm4b:s6+s19], $0x80, s3, s19, $0xb8;
	[tilespmem:$0x1C200] =	vst v63  }
0x21: {  	_ = 	snop  }
0x22: {  	[tilespmem:s19], [sflag:$0x4] =	stream.linear.gather [hbm4b:s12+s3], $0x80, $0x38;
	[tilespmem:$0x1C200] =	vst v63  }
0x23: {  	_ = 	snop  }
0x24: {  	[tilespmem:s26], [sflag:$0x4] =	stream.linear.gather [hbm4b:s13+s3], $0x80, $0x38;
	[tilespmem:$0x1C200] =	vst v63  }
0x25: {  	_ =	swait.ge [sflag:s21], $0x80  }
0x26: {  	[sflag:s21] =	ssyncset.done $0x0  }
0x27: {  	[sflag:s21] =	ssyncadd.s32 $0xFFFFFF80  }
0x28: {  	_ =	swait.ge [sflag:s21], $0x80  }
0x29: {  	[sflag:s21] =	ssyncset.done $0x0  }
0x2a: {  	[sflag:s21] =	ssyncadd.s32 $0xFFFFFF80  }
0x2b: {  	[tilespmem:s22], [sflag:$0x2] =	stream.indirect.gather [hbm4b:s6+s19], $0x80, s19, s19, $0xb8;
	[tilespmem:$0x1C200] =	vst v63  }
0x2c: {  	s0 =	simm.s32 $0x100;
	_ =	swait.ge [sflag:s23], $0x4000  }
0x2d: {  	s29 =	sand.u32 $0x7C00, s0;
	[sflag:s23] =	ssyncset.done $0x0  }
0x2e: {  	s0 =	sand.u32 $0x300, s0;
	s29 =	sadd.s32 s7, s29;
	[sflag:s23] =	ssyncadd.s32 $0xFFFFC000  }
0x2f: {  	[spmem:s2] =	stream.indirect.scatter.add.f32 [tilespmem:s20], [sflag:$0x5], $0x80, s18, s19, $0xb8;
	[tilespmem:$0x1C200] =	vst v63  }
0x30: {  	s0 =	sor.u32 s0, s29;
	_ =	swait.ge [sflag:s17], $0x4000  }
0x31: {  	s0 =	sshrl.u32 s0, $0x3;
	[sflag:s17] =	ssyncset.done $0x0  }
0x32: {  	s29 =	sadd.s32 s4, s0;
	[sflag:s17] =	ssyncadd.s32 $0xFFFFC000  }
0x33: {  	[tilespmem:s3], [sflag:$0x3] =	stream.linear.gather [hbm4b:s29+s3], $0x80, $0x38;
	[tilespmem:$0x1C200] =	vst v63  }
0x34: {  	s0 =	sadd.s32 s5, s0  }
0x35: {  	[tilespmem:s18], [sflag:$0x3] =	stream.linear.gather [hbm4b:s0+s3], $0x80, $0x38;
	[tilespmem:$0x1C200] =	vst v63  }
0x36: {  	_ =	swait.ge [sflag:s24], $0x80  }
0x37: {  	[sflag:s24] =	ssyncset.done $0x0  }
0x38: {  	[sflag:s24] =	ssyncadd.s32 $0xFFFFFF80  }
0x39: {  	_ =	swait.ge [sflag:s24], $0x80  }
0x3a: {  	[sflag:s24] =	ssyncset.done $0x0  }
0x3b: {  	[sflag:s24] =	ssyncadd.s32 $0xFFFFFF80  }
0x3c: {  	[tilespmem:s20], [sflag:$0x1] =	stream.indirect.gather [hbm4b:s6+s19], $0x80, s3, s19, $0xb8;
	[tilespmem:$0x1C200] =	vst v63  }
0x3d: {  	_ =	swait.ge [sflag:s25], $0x4000  }
0x3e: {  	s1 =	sand.u32 $0x7C00, s26;
	[sflag:s25] =	ssyncset.done $0x0  }
0x3f: {  	s29 =	sand.u32 $0x380, s26;
	s0 =	sadd.s32 s7, s1;
	[sflag:s25] =	ssyncadd.s32 $0xFFFFC000  }
0x40: {  	[spmem:s2] =	stream.indirect.scatter.add.f32 [tilespmem:s22], [sflag:$0x5], $0x80, s26, s19, $0xb8;
	[tilespmem:$0x1C200] =	vst v63  }
0x41: {  	s0 =	sor.u32 s29, s0;
	_ =	swait.ge [sflag:s17], $0x4000  }
0x42: {  	s0 =	sshrl.u32 s0, $0x3;
	[sflag:s17] =	ssyncset.done $0x0  }
0x43: {  	s29 =	sadd.s32 s4, s0;
	[sflag:s17] =	ssyncadd.s32 $0xFFFFC000  }
0x44: {  	[tilespmem:s19], [sflag:$0x4] =	stream.linear.gather [hbm4b:s29+s3], $0x80, $0x38;
	[tilespmem:$0x1C200] =	vst v63  }
0x45: {  	s0 =	sadd.s32 s5, s0  }
0x46: {  	[tilespmem:s26], [sflag:$0x4] =	stream.linear.gather [hbm4b:s0+s3], $0x80, $0x38;
	[tilespmem:$0x1C200] =	vst v63  }
0x47: {  	_ =	swait.ge [sflag:s21], $0x80  }
0x48: {  	[sflag:s21] =	ssyncset.done $0x0  }
0x49: {  	[sflag:s21] =	ssyncadd.s32 $0xFFFFFF80  }
0x4a: {  	s1 =	simm.s32 $0x200;
	_ =	swait.ge [sflag:s21], $0x80  }
0x4b: {  	s30 =	sand.u32 $0x7C00, s1;
	[sflag:s21] =	ssyncset.done $0x0  }
0x4c: {  	s30 =	sadd.s32 s7, s30;
	[sflag:s21] =	ssyncadd.s32 $0xFFFFFF80  }
0x4d: {  	[tilespmem:s22], [sflag:$0x2] =	stream.indirect.gather [hbm4b:s6+s19], $0x80, s19, s19, $0xb8;
	[tilespmem:$0x1C200] =	vst v63  }
0x4e: {  	s29 =	simm.s32 $0x280;
	s0 =	sand.u32 $0x300, s1;
	_ =	swait.ge [sflag:s23], $0x4000  }
0x4f: {  	s31 =	sor.u32 s0, s30;
	s30 =	simm.s32 $0x380;
	[sflag:s23] =	ssyncset.done $0x0  }
.LBB2_2:
0x50: {  	s31 =	sshrl.u32 s31, $0x3  }
0x51: {  	[sflag:s23] =	ssyncadd.s32 $0xFFFFC000;
	s1 =	smov.u32 s30;
	s0 =	sadd.s32 $0x100, s30  }
0x52: {  	[spmem:s2] =	stream.indirect.scatter.add.f32 [tilespmem:s20], [sflag:$0x5], $0x80, s18, s19, $0xb8;
	[tilespmem:$0x1C200] =	vst v63  }
0x53: {  	p0 =	sne.s32 s30, $0x2780;
	_ =	swait.ge [sflag:s17], $0x4000  }
0x54: {  	[sflag:s17] =	ssyncset.done $0x0  }
0x55: {  	s30 =	sadd.s32 s4, s31;
	[sflag:s17] =	ssyncadd.s32 $0xFFFFC000  }
0x56: {  	[tilespmem:s3], [sflag:$0x3] =	stream.linear.gather [hbm4b:s30+s3], $0x80, $0x38;
	[tilespmem:$0x1C200] =	vst v63  }
0x57: {  	s30 =	sadd.s32 s5, s31  }
0x58: {  	[tilespmem:s18], [sflag:$0x3] =	stream.linear.gather [hbm4b:s30+s3], $0x80, $0x38;
	[tilespmem:$0x1C200] =	vst v63  }
0x59: {  	_ =	swait.ge [sflag:s24], $0x80  }
0x5a: {  	[sflag:s24] =	ssyncset.done $0x0  }
0x5b: {  	[sflag:s24] =	ssyncadd.s32 $0xFFFFFF80  }
0x5c: {  	_ =	swait.ge [sflag:s24], $0x80  }
0x5d: {  	[sflag:s24] =	ssyncset.done $0x0  }
0x5e: {  	[sflag:s24] =	ssyncadd.s32 $0xFFFFFF80  }
0x5f: {  	[tilespmem:s20], [sflag:$0x1] =	stream.indirect.gather [hbm4b:s6+s19], $0x80, s3, s19, $0xb8;
	[tilespmem:$0x1C200] =	vst v63  }
0x60: {  	_ =	swait.ge [sflag:s25], $0x4000  }
0x61: {  	[sflag:s25] =	ssyncset.done $0x0  }
0x62: {  	s30 =	sand.u32 $0x7C00, s29;
	[sflag:s25] =	ssyncadd.s32 $0xFFFFC000  }
0x63: {  	[spmem:s2] =	stream.indirect.scatter.add.f32 [tilespmem:s22], [sflag:$0x5], $0x80, s26, s19, $0xb8;
	[tilespmem:$0x1C200] =	vst v63  }
0x64: {  	s29 =	sand.u32 $0x380, s29;
	s30 =	sadd.s32 s7, s30;
	_ =	swait.ge [sflag:s17], $0x4000  }
0x65: {  	s30 =	sor.u32 s29, s30;
	s29 =	smov.u32 s1;
	[sflag:s17] =	ssyncset.done $0x0  }
0x66: {  	s1 =	sshrl.u32 s30, $0x3;
	[sflag:s17] =	ssyncadd.s32 $0xFFFFC000  }
0x67: {  	s30 =	sadd.s32 s4, s1  }
0x68: {  	[tilespmem:s19], [sflag:$0x4] =	stream.linear.gather [hbm4b:s30+s3], $0x80, $0x38;
	[tilespmem:$0x1C200] =	vst v63  }
0x69: {  	s1 =	sadd.s32 s5, s1  }
0x6a: {  	[tilespmem:s26], [sflag:$0x4] =	stream.linear.gather [hbm4b:s1+s3], $0x80, $0x38;
	[tilespmem:$0x1C200] =	vst v63  }
0x6b: {  	_ =	swait.ge [sflag:s21], $0x80  }
0x6c: {  	[sflag:s21] =	ssyncset.done $0x0  }
0x6d: {  	[sflag:s21] =	ssyncadd.s32 $0xFFFFFF80  }
0x6e: {  	_ =	swait.ge [sflag:s21], $0x80  }
.Ltmp0:
0x6f: {  	s1 =	sadd.s32 $0xFFFFFF80, s29;
	[sflag:s21] =	ssyncset.done $0x0;
	(pc) =	sbr.rel @p0 .LBB2_2-.Ltmp0, $4  }
0x70: {  	s30 =	sand.u32 $0x7C00, s1;
	[sflag:s21] =	ssyncadd.s32 $0xFFFFFF80  }
0x71: {  	[tilespmem:s22], [sflag:$0x2] =	stream.indirect.gather [hbm4b:s6+s19], $0x80, s19, s19, $0xb8;
	[tilespmem:$0x1C200] =	vst v63  }
0x72: {  	s1 =	sand.u32 $0x300, s1;
	s30 =	sadd.s32 s7, s30;
	_ =	swait.ge [sflag:s23], $0x4000  }
0x73: {  	s31 =	sor.u32 s1, s30;
	s30 =	smov.u32 s0;
	[sflag:s23] =	ssyncset.done $0x0  }
0x74: {  	[sflag:s23] =	ssyncadd.s32 $0xFFFFC000  }
0x75: {  	[spmem:s2] =	stream.indirect.scatter.add.f32 [tilespmem:s20], [sflag:$0x5], $0x80, s18, s19, $0xb8;
	[tilespmem:$0x1C200] =	vst v63  }
0x76: {  	_ =	swait.ge [sflag:s17], $0x4000  }
0x77: {  	s0 =	sshrl.u32 s31, $0x3;
	[sflag:s17] =	ssyncset.done $0x0  }
0x78: {  	s1 =	sadd.s32 s4, s0;
	[sflag:s17] =	ssyncadd.s32 $0xFFFFC000  }
0x79: {  	[tilespmem:s3], [sflag:$0x3] =	stream.linear.gather [hbm4b:s1+s3], $0x80, $0x38;
	[tilespmem:$0x1C200] =	vst v63  }
0x7a: {  	s0 =	sadd.s32 s5, s0  }
0x7b: {  	[tilespmem:s18], [sflag:$0x3] =	stream.linear.gather [hbm4b:s0+s3], $0x80, $0x38;
	[tilespmem:$0x1C200] =	vst v63  }
0x7c: {  	_ =	swait.ge [sflag:s24], $0x80  }
0x7d: {  	[sflag:s24] =	ssyncset.done $0x0  }
0x7e: {  	[sflag:s24] =	ssyncadd.s32 $0xFFFFFF80  }
0x7f: {  	_ =	swait.ge [sflag:s24], $0x80  }
0x80: {  	[sflag:s24] =	ssyncset.done $0x0  }
0x81: {  	[sflag:s24] =	ssyncadd.s32 $0xFFFFFF80  }
0x82: {  	[tilespmem:s20], [sflag:$0x1] =	stream.indirect.gather [hbm4b:s6+s19], $0x80, s3, s19, $0xb8;
	[tilespmem:$0x1C200] =	vst v63  }
0x83: {  	_ =	swait.ge [sflag:s25], $0x4000  }
0x84: {  	s1 =	sand.u32 $0x7C00, s29;
	[sflag:s25] =	ssyncset.done $0x0  }
0x85: {  	s30 =	sand.u32 $0x380, s29;
	s0 =	sadd.s32 s7, s1;
	[sflag:s25] =	ssyncadd.s32 $0xFFFFC000  }
0x86: {  	[spmem:s2] =	stream.indirect.scatter.add.f32 [tilespmem:s22], [sflag:$0x5], $0x80, s26, s19, $0xb8;
	[tilespmem:$0x1C200] =	vst v63  }
0x87: {  	s0 =	sor.u32 s30, s0;
	_ =	swait.ge [sflag:s17], $0x4000  }
0x88: {  	s0 =	sshrl.u32 s0, $0x3;
	[sflag:s17] =	ssyncset.done $0x0  }
0x89: {  	s31 =	sadd.s32 s4, s0;
	[sflag:s17] =	ssyncadd.s32 $0xFFFFC000  }
0x8a: {  	[tilespmem:s19], [sflag:$0x4] =	stream.linear.gather [hbm4b:s31+s3], $0x80, $0x38;
	[tilespmem:$0x1C200] =	vst v63  }
0x8b: {  	s0 =	sadd.s32 s5, s0  }
0x8c: {  	[tilespmem:s26], [sflag:$0x4] =	stream.linear.gather [hbm4b:s0+s3], $0x80, $0x38;
	[tilespmem:$0x1C200] =	vst v63  }
0x8d: {  	_ =	swait.ge [sflag:s21], $0x80  }
0x8e: {  	[sflag:s21] =	ssyncset.done $0x0  }
0x8f: {  	[sflag:s21] =	ssyncadd.s32 $0xFFFFFF80  }
0x90: {  	_ =	swait.ge [sflag:s21], $0x80  }
0x91: {  	[sflag:s21] =	ssyncset.done $0x0  }
0x92: {  	[sflag:s21] =	ssyncadd.s32 $0xFFFFFF80  }
0x93: {  	[tilespmem:s22], [sflag:$0x2] =	stream.indirect.gather [hbm4b:s6+s19], $0x80, s19, s19, $0xb8;
	[tilespmem:$0x1C200] =	vst v63  }
0x94: {  	_ =	swait.ge [sflag:s23], $0x4000  }
0x95: {  	[sflag:s23] =	ssyncset.done $0x0  }
0x96: {  	[sflag:s23] =	ssyncadd.s32 $0xFFFFC000  }
0x97: {  	[spmem:s2] =	stream.indirect.scatter.add.f32 [tilespmem:s20], [sflag:$0x5], $0x80, s18, s19, $0xb8;
	[tilespmem:$0x1C200] =	vst v63  }
0x98: {  	_ =	swait.ge [sflag:s17], $0x4000  }
0x99: {  	[sflag:s17] =	ssyncset.done $0x0  }
0x9a: {  	[sflag:s17] =	ssyncadd.s32 $0xFFFFC000  }
0x9b: {  	_ =	swait.ge [sflag:s25], $0x4000  }
0x9c: {  	[sflag:s25] =	ssyncset.done $0x0  }
0x9d: {  	[sflag:s25] =	ssyncadd.s32 $0xFFFFC000  }
0x9e: {  	[spmem:s2] =	stream.indirect.scatter.add.f32 [tilespmem:s22], [sflag:$0x5], $0x80, s26, s19, $0xb8;
	[tilespmem:$0x1C200] =	vst v63  }
0x9f: {  	_ =	swait.ge [sflag:s17], $0x4000  }
0xa0: {  	s28 =	sadd.s32 $0x1, s28;
	[sflag:s17] =	ssyncset.done $0x0  }
0xa1: {  	p0 =	sne.s32 s28, s15;
	[sflag:s17] =	ssyncadd.s32 $0xFFFFC000  }
.Ltmp1:
0xa2: {  	[bflag:$0x0] =	sbarrier.arrive $0xFFFF;
	(pc) =	sbr.rel @p0 .LBB2_1-.Ltmp1, $4  }
0xa3: {  	[hbm:s14], [sflag:s9] =	dma.local [spmem:s16], $0x2800  }
0xa4: {  	_ =	swait.ge [sflag:s17], $0x2800  }
0xa5: {  	[sflag:s17] =	ssyncset.done $0x0  }
0xa6: {  	[sflag:s17] =	ssyncadd.s32 $0xFFFFD800  }
0xa7: {  	_ =	sfence.sel $0x180000  }
0xa8: {  	[bflag:$0x0] =	sbarrier.arrive $0xFFFF  }
0xa9: {  	_ =	strace $0x9000004A  }
0xaa: {  	s0 =	stileid.u32;
	[bflag:$0x2] =	sbarrier.arrive $0xFFFF  }
0xab: {  	p0 =	sne.s32 s0, $0x0;
	s0 =	rddreg [dreg:$0x2]  }
0xac: {  	s0 =	sadd.s32 @!p0 $0x100000, s0  }
0xad: {  	[sflag:s0] =	ssyncadd.tile.s32 @!p0 $0x1;
	_ =	shalt  }
.Lfunc_end2:
_tile_overlayer_lowered:
.L_overlay_start_2:
0xae: {  	(tag) =	ssettag $0x2  }
0xaf: {  	s0 =	rddreg [dreg:$0x0];
	s2 =	stileid.u32  }
0xb0: {  	s1 =	rddreg [dreg:$0x1];
	p0 =	sne.s32 s2, $0x0  }
0xb1: {  	s3 =	rddreg [dreg:$0x2];
	[bflag:$0x3] =	sbarrier.arrive $0xFFFF;
	s2 =	simm.s32 @!p0 $0x1C05  }
0xb2: {  	[timem:s3], [sflag:s2] =	dma.local @!p0 [hbm:s0], s1  }
0xb3: {  	s0 =	simm.s32 @!p0 $0x5  }
0xb4: {  	_ =	swait.ge @!p0 [sflag:s0], s1  }
0xb5: {  	s1 =	ssub.s32 @!p0 $0x0, s1;
	[sflag:s0] =	ssyncset.done @!p0 $0x0  }
0xb6: {  	[sflag:s0] =	ssyncadd.s32 @!p0 s1  }
0xb7: {  	[bflag:$0x3] =	sbarrier.arrive $0xFFFF  }
0xb8: {  	_ =	shalt  }

// kernel: kernel.16.cloned.1.call-start
scs
__scs_entry_jumppad:
0x0: {  	(pc) =	sbr.rel $0x88, $3  }
0x1: {  	(tag) =	ssettag $0x0;
	lr =	simm.s32 $0x1  }
0x2: {  	[smem:$0x3F8E] =	sst lr;
	_ =	strace $0xD0000000  }
0x3: {  	_ = 	snop  }
0x4: {  	_ = 	snop  }
0x5: {  	_ = 	snop  }
0x6: {  	_ = 	snop  }
0x7: {  	_ = 	snop  }
__scs_overlays_trampoline_lowered:
0x8: {  	[smem:$0x3F9D] =	sst s0  }
0x9: {  	[smem:$0x3F9E] =	sst s1  }
0xa: {  	[smem:$0x3F9F] =	sst s2  }
0xb: {  	[smem:$0x3FA0] =	sst s3  }
0xc: {  	[smem:$0x3FA1] =	sst s4  }
0xd: {  	[smem:$0x3FA2] =	sst s5  }
0xe: {  	[smem:$0x3FA3] =	sst s6  }
0xf: {  	[smem:$0x3FA4] =	sst s7  }
0x10: {  	[smem:$0x3FA5] =	sst s8  }
0x11: {  	[smem:$0x3FA6] =	sst s9;
	s0 =	simm.s32 @!p0 $0x0  }
0x12: {  	s1 =	sld [smem:$0x3F8C];
	s0 =	simm.s32 @p0 $0x1  }
0x13: {  	[smem:$0x3FA7] =	sst s0;
	s0 =	simm.s32 @!p1 $0x0  }
0x14: {  	s2 =	sld [smem:$0x3F8B];
	s0 =	simm.s32 @p1 $0x1  }
0x15: {  	[smem:$0x3FA8] =	sst s0;
	s0 =	simm.s32 @!p2 $0x0  }
0x16: {  	s3 =	sld [smem:$0x3FDB];
	s0 =	simm.s32 @p2 $0x1  }
0x17: {  	s4 =	simm.s32 $0x1BF5;
	[smem:$0x3FAA] =	sst s0  }
0x18: {  	s0 =	sld [smem:$0x3F8D];
	_ =	swait.ge [sflag:s4], $0x0  }
0x19: {  	s7 =	sld [smem:$0x3F8E]  }
0x1a: {  	s8 =	sadd.s32 $0xFFFFE003, lr  }
0x1b: {  	s9 =	sadd.s32 $0xFFFFFEF7, lr;
	s5 =	simm.s32 $0xFFFFFFFF;
	p2 =	slt.u32 s8, $0xFFFFF086  }
0x1c: {  	p1 =	slt.u32 s9, $0xF7A;
	s5 =	simm.s32 @!p2 $0x0  }
0x1d: {  	s5 =	simm.s32 @p1 $0x1;
	p0 =	seq.s32 s7, s2  }
0x1e: {  	s7 =	smul.u32 @!p0 $0xF7A, s2;
	p2 =	seq.s32 @!p0 s5, $0x0  }
0x1f: {  	s9 =	smul.u32 $0xF7A, s1;
	s8 =	simm.s32 @!p0 $0x1BF5;
	p2 =	por !p2, p0  }
0x20: {  	[sflag:s8] =	ssyncset.s32 @!p0 $0xFFFFF086;
	s6 =	sadd.s32 @!p0 s3, s7;
	s7 =	simm.s32 @!p0 $0x108  }
0x21: {  	s3 =	sadd.s32 s3, s9;
	s6 =	sadd.s32 @!p0 $0x88, s6;
	s7 =	simm.s32 @p2 $0x1082  }
0x22: {  	[simem:s7], [sflag:s8] =	dma.local @!p0 [hbm:s6], $0xF7A  }
0x23: {  	s9 =	sor.u32 $0xD0000000, s2;
	s6 =	simm.s32 $0x108;
	_ =	swait.ge @!p0 [sflag:s8], $0x0  }
0x24: {  	s3 =	sadd.s32 $0x88, s3;
	s6 =	simm.s32 @!p1 $0x1082;
	[sflag:s4] =	ssyncset.s32 $0xFFFFF086  }
0x25: {  	[simem:s6], [sflag:s4] =	dma.local [hbm:s3], $0xF7A  }
0x26: {  	[smem:$0x3F8E] =	sst s1;
	(tag) =	ssettag s2;
	_ =	strace s9  }
0x27: {  	s1 =	sld [smem:$0x3F9E]  }
0x28: {  	s2 =	sld [smem:$0x3F9F]  }
0x29: {  	s4 =	sld [smem:$0x3FA1]  }
0x2a: {  	p0 =	seq.s32 s5, $0x0;
	s5 =	sld [smem:$0x3FA2]  }
0x2b: {  	s6 =	sld [smem:$0x3FA3]  }
0x2c: {  	s7 =	sld [smem:$0x3FA4]  }
0x2d: {  	s3 =	simm.s32 $0x108;
	s8 =	sld [smem:$0x3FA5]  }
0x2e: {  	s3 =	simm.s32 @!p0 $0x1082;
	s9 =	sld [smem:$0x3FA6]  }
0x2f: {  	lr =	sadd.s32 s0, s3;
	s0 =	sld [smem:$0x3F9D]  }
0x30: {  	s3 =	sld [smem:$0x3FA0]  }
0x31: {  	[smem:$0x3FA9] =	sst s10  }
0x32: {  	s10 =	sld [smem:$0x3FA7];
	_ =	sdelay $0x3  }
0x33: {  	p0 =	seq.s32 s10, $0x1;
	s10 =	sld [smem:$0x3FA9];
	_ =	sdelay $0x3  }
0x34: {  	[smem:$0x3FA9] =	sst s10  }
0x35: {  	s10 =	sld [smem:$0x3FA8];
	_ =	sdelay $0x3  }
0x36: {  	p1 =	seq.s32 s10, $0x1;
	s10 =	sld [smem:$0x3FA9];
	_ =	sdelay $0x3  }
0x37: {  	[smem:$0x3FA9] =	sst s10  }
0x38: {  	s10 =	sld [smem:$0x3FAA]  }
0x39: {  	_ = 	snop;
	(pc) =	sbr.ind lr, $3  }
0x3a: {  	_ = 	snop  }
0x3b: {  	_ = 	snop  }
0x3c: {  	p2 =	seq.s32 s10, $0x1;
	s10 =	sld [smem:$0x3FA9]  }
0x3d: {  	_ =	shalt  }
0x3e: {  	_ =	shalt  }
0x3f: {  	_ =	shalt  }
0x40: {  	_ =	shalt  }
0x41: {  	_ =	shalt  }
0x42: {  	_ =	shalt  }
0x43: {  	_ =	shalt  }
0x44: {  	_ =	shalt  }
0x45: {  	_ =	shalt  }
0x46: {  	_ =	shalt  }
0x47: {  	_ =	shalt  }
0x48: {  	_ =	shalt  }
0x49: {  	_ =	shalt  }
0x4a: {  	_ =	shalt  }
0x4b: {  	_ =	shalt  }
0x4c: {  	_ =	shalt  }
0x4d: {  	_ =	shalt  }
0x4e: {  	_ =	shalt  }
0x4f: {  	_ =	shalt  }
0x50: {  	_ =	shalt  }
0x51: {  	_ =	shalt  }
0x52: {  	_ =	shalt  }
0x53: {  	_ =	shalt  }
0x54: {  	_ =	shalt  }
0x55: {  	_ =	shalt  }
0x56: {  	_ =	shalt  }
0x57: {  	_ =	shalt  }
0x58: {  	_ =	shalt  }
0x59: {  	_ =	shalt  }
0x5a: {  	_ =	shalt  }
0x5b: {  	_ =	shalt  }
0x5c: {  	_ =	shalt  }
0x5d: {  	_ =	shalt  }
0x5e: {  	_ =	shalt  }
0x5f: {  	_ =	shalt  }
0x60: {  	_ =	shalt  }
0x61: {  	_ =	shalt  }
0x62: {  	_ =	shalt  }
0x63: {  	_ =	shalt  }
0x64: {  	_ =	shalt  }
0x65: {  	_ =	shalt  }
0x66: {  	_ =	shalt  }
0x67: {  	_ =	shalt  }
0x68: {  	_ =	shalt  }
0x69: {  	_ =	shalt  }
0x6a: {  	_ =	shalt  }
0x6b: {  	_ =	shalt  }
0x6c: {  	_ =	shalt  }
0x6d: {  	_ =	shalt  }
0x6e: {  	_ =	shalt  }
0x6f: {  	_ =	shalt  }
0x70: {  	_ =	shalt  }
0x71: {  	_ =	shalt  }
0x72: {  	_ =	shalt  }
0x73: {  	_ =	shalt  }
0x74: {  	_ =	shalt  }
0x75: {  	_ =	shalt  }
0x76: {  	_ =	shalt  }
0x77: {  	_ =	shalt  }
0x78: {  	_ =	shalt  }
0x79: {  	_ =	shalt  }
0x7a: {  	_ =	shalt  }
0x7b: {  	_ =	shalt  }
0x7c: {  	_ =	shalt  }
0x7d: {  	_ =	shalt  }
0x7e: {  	_ =	shalt  }
0x7f: {  	_ =	shalt  }
0x80: {  	_ =	shalt  }
0x81: {  	_ =	shalt  }
0x82: {  	_ =	shalt  }
0x83: {  	_ =	shalt  }
0x84: {  	_ =	shalt  }
0x85: {  	_ =	shalt  }
0x86: {  	_ =	shalt  }
0x87: {  	_ =	shalt  }
.Lfunc_end0:
.L_simem_size_0:
called_computation.2_lowered:
.L_overlay_start_0:
0x88: {  	s2 =	sld [smem:$0x3FD9]  }
0x89: {  	s3 =	sld [smem:$0x3FFE];
	_ =	sdelay $0x1  }
0x8a: {  	s1 =	srdreg.scid  }
0x8b: {  	s0 =	sand.u32 $0x1, s1  }
0x8c: {  	s16 =	sshll.u32 s0, $0xA;
	s2 =	sadd.s32 s3, s2  }
0x8d: {  	s2 =	sadd.s32 s2, s16  }
0x8e: {  	[smem:$0x3FB5] =	sst s2  }
0x8f: {  	_ = 	snop  }
0x90: {  	(tm) =	ssettm $0x1  }
0x91: {  	s17 =	sld [smem:$0x3FFB];
	_ =	sdelay $0x3  }
0x92: {  	_ =	strace s17  }
0x93: {  	s2 =	sld [smem:$0x3FFC];
	_ =	sdelay $0x3  }
0x94: {  	_ =	strace s2  }
0x95: {  	s2 =	sld [smem:$0x3FFD];
	_ =	sdelay $0x3  }
0x96: {  	_ =	strace s2  }
0x97: {  	_ =	strace $0x8FFFFFFF  }
0x98: {  	s18 =	sld [smem:$0x3FDB];
	_ =	sdelay $0x1  }
0x99: {  	s19 =	simm.s32 $_scs_section_size  }
0x9a: {  	s4 =	simm.s32 $_size__tile_overlayer_lowered;
	s5 =	simm.s32 $_tile_overlayer_lowered  }
0x9b: {  	s22 =	simm.s32 $0x1BFF;
	s21 =	sshll.u32 s5, $0x1;
	s2 =	sadd.s32 s19, s18  }
0x9c: {  	s6 =	simm.s32 $0x0;
	s20 =	sshll.u32 s4, $0x1;
	s4 =	sadd.s32 s21, s2  }
0x9d: {  	[timem:s6], [sflag:s22] =	dma.local [hbm:s4], s20  }
0x9e: {  	_ =	swait.ge [sflag:s22], s20  }
0x9f: {  	s3 =	ssub.s32 $0x0, s20;
	[sflag:s22] =	ssyncset.done $0x0  }
0xa0: {  	[sflag:s22] =	ssyncadd.s32 s3;
	_ =	sdelay $0x1  }
0xa1: {  	s23 =	simm.s32 $0x1B8B  }
0xa2: {  	_ =	swait.ge [sflag:s23], $0x1  }
0xa3: {  	[sflag:s23] =	ssyncset.done $0x0  }
0xa4: {  	s25 =	simm.s32 $0x1B8E;
	s24 =	sld [smem:$0x3FFE];
	[sflag:s23] =	ssyncadd.s32 $0xFFFFFFFF  }
0xa5: {  	s26 =	simm.s32 $execute0_lowered;
	[smem:$0x3FD2] =	sst s25  }
0xa6: {  	s4 =	sshll.u32 s26, $0x1;
	_ =	strace $0x8000004C;
	[dreg:$0x1] =	wrdreg $0xFFFFFFFF  }
0xa7: {  	s28 =	simm.s32 $_size_execute0_lowered;
	s2 =	sadd.s32 s2, s4;
	[dreg:$0x0] =	wrdreg $0x0  }
0xa8: {  	s4 =	sshll.u32 s28, $0x1;
	[dreg:$0x2] =	wrdreg s2  }
0xa9: {  	[dreg:$0x3] =	wrdreg s4  }
0xaa: {  	[dreg:$0x4] =	wrdreg $0xC0  }
0xab: {  	_ =	task [dreg:s6], $0x5FFFF  }
0xac: {  	[dreg:$0x1] =	wrdreg $0xFFFFFFFF  }
0xad: {  	[dreg:$0x0] =	wrdreg $0x60  }
0xae: {  	[dreg:$0x2] =	wrdreg s24  }
0xaf: {  	[dreg:$0x3] =	wrdreg $0x82000  }
0xb0: {  	[dreg:$0x4] =	wrdreg $0x9  }
0xb1: {  	_ =	task.clear_ibuf [dreg:s6], $0x5FFFF;
	_ =	strace $0x9000004C  }
0xb2: {  	s29 =	simm.s32 $0x9;
	_ =	strace $0x8000004E  }
0xb3: {  	_ =	swait.ge [sflag:s29], $0x1  }
0xb4: {  	[sflag:s29] =	ssyncadd.s32 $0xFFFFFFFF  }
0xb5: {  	_ =	strace $0x9000004E  }
0xb6: {  	_ =	sfence  }
0xb7: {  	s30 =	sld [smem:$0x0];
	_ =	sdelay $0x2  }
0xb8: {  	s31 =	sshll.u32 s1, $0xD;
	s1 =	sshrl.u32 s1, $0x2  }
0xb9: {  	s3 =	sand.u32 $0x4000, s31;
	s1 =	sadd.s32 s1, s30  }
0xba: {  	s0 =	sor.u32 s3, s0;
	s1 =	sshll.u32 s1, $0x11  }
0xbb: {  	s0 =	sor.u32 s1, s0  }
0xbc: {  	s0 =	sadd.s32 $0x8F2B, s0  }
0xbd: {  	[sflag:s0] =	ssyncadd.remote.s32 $0x1  }
0xbe: {  	_ =	sfence.sel $0xFFFF  }
0xbf: {  	[dreg:$0x0] =	wrdreg $0xFFFFFFFF;
	(pc) =	sbr.abs _section_cstart, $3  }
0xc0: {  	[dreg:$0x1] =	wrdreg $0xFFFFFFFF  }
0xc1: {  	_ =	task.clear_ibuf [dreg:s6], $0x2FFFF;
	_ =	strace $0x9FFFFFFF  }
0xc2: {  	(tm) =	ssettm $0x7FFFFFFF  }
0xc3: {  	_ =	shalt  }
tec
execute0_lowered:
.L_overlay_start_1:
0x0: {  	(tag) =	ssettag $0x1  }
0x1: {  	s0 =	rddreg [dreg:$0x0]  }
0x2: {  	s2 =	rddreg [dreg:$0x1]  }
0x3: {  	s3 =	simm.s32 $0x0;
	s1 =	stileid.u32;
	s4 =	srdreg.scid  }
0x4: {  	s17 =	simm.s32 $0x5;
	s18 =	simm.s32 $0x100;
	s19 =	simm.s32 $0x80  }
0x5: {  	s20 =	simm.s32 $0x200;
	s21 =	simm.s32 $0x4;
	s22 =	simm.s32 $0x4200  }
0x6: {  	s23 =	simm.s32 $0x1;
	s28 =	simm.s32 $0x0;
	[smem:$0x7FF] =	sst s3  }
0x7: {  	s7 =	smul.u32 $0x14000, s1;
	s8 =	sand.u32 $0x1, s4;
	s4 =	sadd.s32 $0x17600, s0  }
0x8: {  	s5 =	sadd.s32 $0x3600, s0;
	s6 =	sadd.s32 $0x21600, s0;
	s24 =	sshll.u32 s1, $0x1  }
0x9: {  	s12 =	smul.u32 $0x50000, s1;
	s29 =	sshll.u32 s1, $0x6;
	_ =	strace $0x8000004D  }
0xa: {  	s9 =	smul.u32 $0x140000, s8;
	s11 =	ssub.s32 $0x2, s8;
	s8 =	sor.u32 s8, s24  }
0xb: {  	s24 =	simm.s32 $0x3;
	s10 =	sshrl.u32 s7, $0x3;
	s13 =	sshrl.u32 s11, $0x1  }
0xc: {  	s26 =	sshrl.u32 s12, $0x2;
	s10 =	sadd.s32 s10, s0;
	s7 =	sadd.s32 s7, s9  }
0xd: {  	s15 =	ssub.s32 s11, s13;
	s16 =	sadd.s32 s26, s2;
	s9 =	sor.u32 $0x1C05, s29  }
0xe: {  	s26 =	simm.s32 $0x180;
	s25 =	sshrl.u32 s7, $0x3;
	s7 =	smul.u32 $0x2800, s8  }
0xf: {  	s8 =	sadd.s32 $0x48800, s10;
	s15 =	smax.u32 s15, $0x1;
	s16 =	sshrl.u32 s16, $0x3  }
0x10: {  	s0 =	sadd.s32 s25, s0;
	s25 =	simm.s32 $0x2;
	s30 =	sshrl.u32 s7, $0x3  }
0x11: {  	s14 =	sadd.s32 $0x70800, s0;
	s31 =	sor.u32 $0x10, s30;
	s10 =	sadd.s32 s4, s30  }
0x12: {  	s11 =	sadd.s32 s5, s30;
	s12 =	sadd.s32 s4, s31;
	s13 =	sadd.s32 s5, s31  }
.LBB2_1:
0x13: {  	[spmem:s16], [sflag:s9] =	dma.local [hbm:s8], $0x2800  }
0x14: {  	_ =	swait.ge [sflag:s17], $0x2800  }
0x15: {  	[sflag:s17] =	ssyncset.done $0x0  }
0x16: {  	[sflag:s17] =	ssyncadd.s32 $0xFFFFD800  }
0x17: {  	[bflag:$0x0] =	sbarrier.arrive $0xFFFF  }
0x18: {  	[tilespmem:s3], [sflag:$0x5] =	stream.linear.gather [hbm4b:s10+s3], $0x80, $0x38;
	[tilespmem:$0x1C200] =	vst v63  }
0x19: {  	_ =	swait.ge [sflag:s17], $0x80  }
0x1a: {  	[sflag:s17] =	ssyncset.done $0x0  }
0x1b: {  	[sflag:s17] =	ssyncadd.s32 $0xFFFFFF80  }
0x1c: {  	[tilespmem:s18], [sflag:$0x5] =	stream.linear.gather [hbm4b:s11+s3], $0x80, $0x38;
	[tilespmem:$0x1C200] =	vst v63  }
0x1d: {  	_ =	swait.ge [sflag:s17], $0x80  }
0x1e: {  	[sflag:s17] =	ssyncset.done $0x0  }
0x1f: {  	[sflag:s17] =	ssyncadd.s32 $0xFFFFFF80  }
0x20: {  	[tilespmem:s20], [sflag:$0x1] =	stream.indirect.gather [hbm4b:s6+s19], $0x80, s3, s19, $0xb8;
	[tilespmem:$0x1C200] =	vst v63  }
0x21: {  	_ = 	snop  }
0x22: {  	[tilespmem:s19], [sflag:$0x4] =	stream.linear.gather [hbm4b:s12+s3], $0x80, $0x38;
	[tilespmem:$0x1C200] =	vst v63  }
0x23: {  	_ = 	snop  }
0x24: {  	[tilespmem:s26], [sflag:$0x4] =	stream.linear.gather [hbm4b:s13+s3], $0x80, $0x38;
	[tilespmem:$0x1C200] =	vst v63  }
0x25: {  	_ =	swait.ge [sflag:s21], $0x80  }
0x26: {  	[sflag:s21] =	ssyncset.done $0x0  }
0x27: {  	[sflag:s21] =	ssyncadd.s32 $0xFFFFFF80  }
0x28: {  	_ =	swait.ge [sflag:s21], $0x80  }
0x29: {  	[sflag:s21] =	ssyncset.done $0x0  }
0x2a: {  	[sflag:s21] =	ssyncadd.s32 $0xFFFFFF80  }
0x2b: {  	[tilespmem:s22], [sflag:$0x2] =	stream.indirect.gather [hbm4b:s6+s19], $0x80, s19, s19, $0xb8;
	[tilespmem:$0x1C200] =	vst v63  }
0x2c: {  	s0 =	simm.s32 $0x100;
	_ =	swait.ge [sflag:s23], $0x4000  }
0x2d: {  	s29 =	sand.u32 $0x7C00, s0;
	[sflag:s23] =	ssyncset.done $0x0  }
0x2e: {  	s0 =	sand.u32 $0x300, s0;
	s29 =	sadd.s32 s7, s29;
	[sflag:s23] =	ssyncadd.s32 $0xFFFFC000  }
0x2f: {  	[spmem:s2] =	stream.indirect.scatter.add.f32 [tilespmem:s20], [sflag:$0x5], $0x80, s18, s19, $0xb8;
	[tilespmem:$0x1C200] =	vst v63  }
0x30: {  	s0 =	sor.u32 s0, s29;
	_ =	swait.ge [sflag:s17], $0x4000  }
0x31: {  	s0 =	sshrl.u32 s0, $0x3;
	[sflag:s17] =	ssyncset.done $0x0  }
0x32: {  	s29 =	sadd.s32 s4, s0;
	[sflag:s17] =	ssyncadd.s32 $0xFFFFC000  }
0x33: {  	[tilespmem:s3], [sflag:$0x3] =	stream.linear.gather [hbm4b:s29+s3], $0x80, $0x38;
	[tilespmem:$0x1C200] =	vst v63  }
0x34: {  	s0 =	sadd.s32 s5, s0  }
0x35: {  	[tilespmem:s18], [sflag:$0x3] =	stream.linear.gather [hbm4b:s0+s3], $0x80, $0x38;
	[tilespmem:$0x1C200] =	vst v63  }
0x36: {  	_ =	swait.ge [sflag:s24], $0x80  }
0x37: {  	[sflag:s24] =	ssyncset.done $0x0  }
0x38: {  	[sflag:s24] =	ssyncadd.s32 $0xFFFFFF80  }
0x39: {  	_ =	swait.ge [sflag:s24], $0x80  }
0x3a: {  	[sflag:s24] =	ssyncset.done $0x0  }
0x3b: {  	[sflag:s24] =	ssyncadd.s32 $0xFFFFFF80  }
0x3c: {  	[tilespmem:s20], [sflag:$0x1] =	stream.indirect.gather [hbm4b:s6+s19], $0x80, s3, s19, $0xb8;
	[tilespmem:$0x1C200] =	vst v63  }
0x3d: {  	_ =	swait.ge [sflag:s25], $0x4000  }
0x3e: {  	s1 =	sand.u32 $0x7C00, s26;
	[sflag:s25] =	ssyncset.done $0x0  }
0x3f: {  	s29 =	sand.u32 $0x380, s26;
	s0 =	sadd.s32 s7, s1;
	[sflag:s25] =	ssyncadd.s32 $0xFFFFC000  }
0x40: {  	[spmem:s2] =	stream.indirect.scatter.add.f32 [tilespmem:s22], [sflag:$0x5], $0x80, s26, s19, $0xb8;
	[tilespmem:$0x1C200] =	vst v63  }
0x41: {  	s0 =	sor.u32 s29, s0;
	_ =	swait.ge [sflag:s17], $0x4000  }
0x42: {  	s0 =	sshrl.u32 s0, $0x3;
	[sflag:s17] =	ssyncset.done $0x0  }
0x43: {  	s29 =	sadd.s32 s4, s0;
	[sflag:s17] =	ssyncadd.s32 $0xFFFFC000  }
0x44: {  	[tilespmem:s19], [sflag:$0x4] =	stream.linear.gather [hbm4b:s29+s3], $0x80, $0x38;
	[tilespmem:$0x1C200] =	vst v63  }
0x45: {  	s0 =	sadd.s32 s5, s0  }
0x46: {  	[tilespmem:s26], [sflag:$0x4] =	stream.linear.gather [hbm4b:s0+s3], $0x80, $0x38;
	[tilespmem:$0x1C200] =	vst v63  }
0x47: {  	_ =	swait.ge [sflag:s21], $0x80  }
0x48: {  	[sflag:s21] =	ssyncset.done $0x0  }
0x49: {  	[sflag:s21] =	ssyncadd.s32 $0xFFFFFF80  }
0x4a: {  	s1 =	simm.s32 $0x200;
	_ =	swait.ge [sflag:s21], $0x80  }
0x4b: {  	s30 =	sand.u32 $0x7C00, s1;
	[sflag:s21] =	ssyncset.done $0x0  }
0x4c: {  	s30 =	sadd.s32 s7, s30;
	[sflag:s21] =	ssyncadd.s32 $0xFFFFFF80  }
0x4d: {  	[tilespmem:s22], [sflag:$0x2] =	stream.indirect.gather [hbm4b:s6+s19], $0x80, s19, s19, $0xb8;
	[tilespmem:$0x1C200] =	vst v63  }
0x4e: {  	s29 =	simm.s32 $0x280;
	s0 =	sand.u32 $0x300, s1;
	_ =	swait.ge [sflag:s23], $0x4000  }
0x4f: {  	s31 =	sor.u32 s0, s30;
	s30 =	simm.s32 $0x380;
	[sflag:s23] =	ssyncset.done $0x0  }
.LBB2_2:
0x50: {  	s31 =	sshrl.u32 s31, $0x3  }
0x51: {  	[sflag:s23] =	ssyncadd.s32 $0xFFFFC000;
	s1 =	smov.u32 s30;
	s0 =	sadd.s32 $0x100, s30  }
0x52: {  	[spmem:s2] =	stream.indirect.scatter.add.f32 [tilespmem:s20], [sflag:$0x5], $0x80, s18, s19, $0xb8;
	[tilespmem:$0x1C200] =	vst v63  }
0x53: {  	p0 =	sne.s32 s30, $0x2780;
	_ =	swait.ge [sflag:s17], $0x4000  }
0x54: {  	[sflag:s17] =	ssyncset.done $0x0  }
0x55: {  	s30 =	sadd.s32 s4, s31;
	[sflag:s17] =	ssyncadd.s32 $0xFFFFC000  }
0x56: {  	[tilespmem:s3], [sflag:$0x3] =	stream.linear.gather [hbm4b:s30+s3], $0x80, $0x38;
	[tilespmem:$0x1C200] =	vst v63  }
0x57: {  	s30 =	sadd.s32 s5, s31  }
0x58: {  	[tilespmem:s18], [sflag:$0x3] =	stream.linear.gather [hbm4b:s30+s3], $0x80, $0x38;
	[tilespmem:$0x1C200] =	vst v63  }
0x59: {  	_ =	swait.ge [sflag:s24], $0x80  }
0x5a: {  	[sflag:s24] =	ssyncset.done $0x0  }
0x5b: {  	[sflag:s24] =	ssyncadd.s32 $0xFFFFFF80  }
0x5c: {  	_ =	swait.ge [sflag:s24], $0x80  }
0x5d: {  	[sflag:s24] =	ssyncset.done $0x0  }
0x5e: {  	[sflag:s24] =	ssyncadd.s32 $0xFFFFFF80  }
0x5f: {  	[tilespmem:s20], [sflag:$0x1] =	stream.indirect.gather [hbm4b:s6+s19], $0x80, s3, s19, $0xb8;
	[tilespmem:$0x1C200] =	vst v63  }
0x60: {  	_ =	swait.ge [sflag:s25], $0x4000  }
0x61: {  	[sflag:s25] =	ssyncset.done $0x0  }
0x62: {  	s30 =	sand.u32 $0x7C00, s29;
	[sflag:s25] =	ssyncadd.s32 $0xFFFFC000  }
0x63: {  	[spmem:s2] =	stream.indirect.scatter.add.f32 [tilespmem:s22], [sflag:$0x5], $0x80, s26, s19, $0xb8;
	[tilespmem:$0x1C200] =	vst v63  }
0x64: {  	s29 =	sand.u32 $0x380, s29;
	s30 =	sadd.s32 s7, s30;
	_ =	swait.ge [sflag:s17], $0x4000  }
0x65: {  	s30 =	sor.u32 s29, s30;
	s29 =	smov.u32 s1;
	[sflag:s17] =	ssyncset.done $0x0  }
0x66: {  	s1 =	sshrl.u32 s30, $0x3;
	[sflag:s17] =	ssyncadd.s32 $0xFFFFC000  }
0x67: {  	s30 =	sadd.s32 s4, s1  }
0x68: {  	[tilespmem:s19], [sflag:$0x4] =	stream.linear.gather [hbm4b:s30+s3], $0x80, $0x38;
	[tilespmem:$0x1C200] =	vst v63  }
0x69: {  	s1 =	sadd.s32 s5, s1  }
0x6a: {  	[tilespmem:s26], [sflag:$0x4] =	stream.linear.gather [hbm4b:s1+s3], $0x80, $0x38;
	[tilespmem:$0x1C200] =	vst v63  }
0x6b: {  	_ =	swait.ge [sflag:s21], $0x80  }
0x6c: {  	[sflag:s21] =	ssyncset.done $0x0  }
0x6d: {  	[sflag:s21] =	ssyncadd.s32 $0xFFFFFF80  }
0x6e: {  	_ =	swait.ge [sflag:s21], $0x80  }
.Ltmp0:
0x6f: {  	s1 =	sadd.s32 $0xFFFFFF80, s29;
	[sflag:s21] =	ssyncset.done $0x0;
	(pc) =	sbr.rel @p0 .LBB2_2-.Ltmp0, $4  }
0x70: {  	s30 =	sand.u32 $0x7C00, s1;
	[sflag:s21] =	ssyncadd.s32 $0xFFFFFF80  }
0x71: {  	[tilespmem:s22], [sflag:$0x2] =	stream.indirect.gather [hbm4b:s6+s19], $0x80, s19, s19, $0xb8;
	[tilespmem:$0x1C200] =	vst v63  }
0x72: {  	s1 =	sand.u32 $0x300, s1;
	s30 =	sadd.s32 s7, s30;
	_ =	swait.ge [sflag:s23], $0x4000  }
0x73: {  	s31 =	sor.u32 s1, s30;
	s30 =	smov.u32 s0;
	[sflag:s23] =	ssyncset.done $0x0  }
0x74: {  	[sflag:s23] =	ssyncadd.s32 $0xFFFFC000  }
0x75: {  	[spmem:s2] =	stream.indirect.scatter.add.f32 [tilespmem:s20], [sflag:$0x5], $0x80, s18, s19, $0xb8;
	[tilespmem:$0x1C200] =	vst v63  }
0x76: {  	_ =	swait.ge [sflag:s17], $0x4000  }
0x77: {  	s0 =	sshrl.u32 s31, $0x3;
	[sflag:s17] =	ssyncset.done $0x0  }
0x78: {  	s1 =	sadd.s32 s4, s0;
	[sflag:s17] =	ssyncadd.s32 $0xFFFFC000  }
0x79: {  	[tilespmem:s3], [sflag:$0x3] =	stream.linear.gather [hbm4b:s1+s3], $0x80, $0x38;
	[tilespmem:$0x1C200] =	vst v63  }
0x7a: {  	s0 =	sadd.s32 s5, s0  }
0x7b: {  	[tilespmem:s18], [sflag:$0x3] =	stream.linear.gather [hbm4b:s0+s3], $0x80, $0x38;
	[tilespmem:$0x1C200] =	vst v63  }
0x7c: {  	_ =	swait.ge [sflag:s24], $0x80  }
0x7d: {  	[sflag:s24] =	ssyncset.done $0x0  }
0x7e: {  	[sflag:s24] =	ssyncadd.s32 $0xFFFFFF80  }
0x7f: {  	_ =	swait.ge [sflag:s24], $0x80  }
0x80: {  	[sflag:s24] =	ssyncset.done $0x0  }
0x81: {  	[sflag:s24] =	ssyncadd.s32 $0xFFFFFF80  }
0x82: {  	[tilespmem:s20], [sflag:$0x1] =	stream.indirect.gather [hbm4b:s6+s19], $0x80, s3, s19, $0xb8;
	[tilespmem:$0x1C200] =	vst v63  }
0x83: {  	_ =	swait.ge [sflag:s25], $0x4000  }
0x84: {  	s1 =	sand.u32 $0x7C00, s29;
	[sflag:s25] =	ssyncset.done $0x0  }
0x85: {  	s30 =	sand.u32 $0x380, s29;
	s0 =	sadd.s32 s7, s1;
	[sflag:s25] =	ssyncadd.s32 $0xFFFFC000  }
0x86: {  	[spmem:s2] =	stream.indirect.scatter.add.f32 [tilespmem:s22], [sflag:$0x5], $0x80, s26, s19, $0xb8;
	[tilespmem:$0x1C200] =	vst v63  }
0x87: {  	s0 =	sor.u32 s30, s0;
	_ =	swait.ge [sflag:s17], $0x4000  }
0x88: {  	s0 =	sshrl.u32 s0, $0x3;
	[sflag:s17] =	ssyncset.done $0x0  }
0x89: {  	s31 =	sadd.s32 s4, s0;
	[sflag:s17] =	ssyncadd.s32 $0xFFFFC000  }
0x8a: {  	[tilespmem:s19], [sflag:$0x4] =	stream.linear.gather [hbm4b:s31+s3], $0x80, $0x38;
	[tilespmem:$0x1C200] =	vst v63  }
0x8b: {  	s0 =	sadd.s32 s5, s0  }
0x8c: {  	[tilespmem:s26], [sflag:$0x4] =	stream.linear.gather [hbm4b:s0+s3], $0x80, $0x38;
	[tilespmem:$0x1C200] =	vst v63  }
0x8d: {  	_ =	swait.ge [sflag:s21], $0x80  }
0x8e: {  	[sflag:s21] =	ssyncset.done $0x0  }
0x8f: {  	[sflag:s21] =	ssyncadd.s32 $0xFFFFFF80  }
0x90: {  	_ =	swait.ge [sflag:s21], $0x80  }
0x91: {  	[sflag:s21] =	ssyncset.done $0x0  }
0x92: {  	[sflag:s21] =	ssyncadd.s32 $0xFFFFFF80  }
0x93: {  	[tilespmem:s22], [sflag:$0x2] =	stream.indirect.gather [hbm4b:s6+s19], $0x80, s19, s19, $0xb8;
	[tilespmem:$0x1C200] =	vst v63  }
0x94: {  	_ =	swait.ge [sflag:s23], $0x4000  }
0x95: {  	[sflag:s23] =	ssyncset.done $0x0  }
0x96: {  	[sflag:s23] =	ssyncadd.s32 $0xFFFFC000  }
0x97: {  	[spmem:s2] =	stream.indirect.scatter.add.f32 [tilespmem:s20], [sflag:$0x5], $0x80, s18, s19, $0xb8;
	[tilespmem:$0x1C200] =	vst v63  }
0x98: {  	_ =	swait.ge [sflag:s17], $0x4000  }
0x99: {  	[sflag:s17] =	ssyncset.done $0x0  }
0x9a: {  	[sflag:s17] =	ssyncadd.s32 $0xFFFFC000  }
0x9b: {  	_ =	swait.ge [sflag:s25], $0x4000  }
0x9c: {  	[sflag:s25] =	ssyncset.done $0x0  }
0x9d: {  	[sflag:s25] =	ssyncadd.s32 $0xFFFFC000  }
0x9e: {  	[spmem:s2] =	stream.indirect.scatter.add.f32 [tilespmem:s22], [sflag:$0x5], $0x80, s26, s19, $0xb8;
	[tilespmem:$0x1C200] =	vst v63  }
0x9f: {  	_ =	swait.ge [sflag:s17], $0x4000  }
0xa0: {  	s28 =	sadd.s32 $0x1, s28;
	[sflag:s17] =	ssyncset.done $0x0  }
0xa1: {  	p0 =	sne.s32 s28, s15;
	[sflag:s17] =	ssyncadd.s32 $0xFFFFC000  }
.Ltmp1:
0xa2: {  	[bflag:$0x0] =	sbarrier.arrive $0xFFFF;
	(pc) =	sbr.rel @p0 .LBB2_1-.Ltmp1, $4  }
0xa3: {  	[hbm:s14], [sflag:s9] =	dma.local [spmem:s16], $0x2800  }
0xa4: {  	_ =	swait.ge [sflag:s17], $0x2800  }
0xa5: {  	[sflag:s17] =	ssyncset.done $0x0  }
0xa6: {  	[sflag:s17] =	ssyncadd.s32 $0xFFFFD800  }
0xa7: {  	_ =	sfence.sel $0x180000  }
0xa8: {  	[bflag:$0x0] =	sbarrier.arrive $0xFFFF  }
0xa9: {  	_ =	strace $0x9000004D  }
0xaa: {  	s0 =	stileid.u32;
	[bflag:$0x2] =	sbarrier.arrive $0xFFFF  }
0xab: {  	p0 =	sne.s32 s0, $0x0;
	s0 =	rddreg [dreg:$0x2]  }
0xac: {  	s0 =	sadd.s32 @!p0 $0x100000, s0  }
0xad: {  	[sflag:s0] =	ssyncadd.tile.s32 @!p0 $0x1;
	_ =	shalt  }
.Lfunc_end2:
_tile_overlayer_lowered:
.L_overlay_start_2:
0xae: {  	(tag) =	ssettag $0x2  }
0xaf: {  	s0 =	rddreg [dreg:$0x0];
	s2 =	stileid.u32  }
0xb0: {  	s1 =	rddreg [dreg:$0x1];
	p0 =	sne.s32 s2, $0x0  }
0xb1: {  	s3 =	rddreg [dreg:$0x2];
	[bflag:$0x3] =	sbarrier.arrive $0xFFFF;
	s2 =	simm.s32 @!p0 $0x1C05  }
0xb2: {  	[timem:s3], [sflag:s2] =	dma.local @!p0 [hbm:s0], s1  }
0xb3: {  	s0 =	simm.s32 @!p0 $0x5  }
0xb4: {  	_ =	swait.ge @!p0 [sflag:s0], s1  }
0xb5: {  	s1 =	ssub.s32 @!p0 $0x0, s1;
	[sflag:s0] =	ssyncset.done @!p0 $0x0  }
0xb6: {  	[sflag:s0] =	ssyncadd.s32 @!p0 s1  }
0xb7: {  	[bflag:$0x3] =	sbarrier.arrive $0xFFFF  }
0xb8: {  	_ =	shalt  }

</sc_bundles>
